<compile_context>
chip_gen: v7x
topology: tpu7x:2x2x1
jax: 0.10.2.dev20260603
libtpu: 0.0.44.dev20260713+nightly
codegen_flags: <defaults>
</compile_context>

<pallas_src>
import jax
import jax.numpy as jnp
from jax import lax
from jax.experimental import pallas as pl
from jax.experimental.pallas import tpu as pltpu
from jax.experimental.pallas import tpu_sc as plsc

NC = 2
NS = 16
L = 16
NW = NC * NS
ROWS = 64
COLS = 32768

SC_COLS = 12288
RPT = ROWS // NW

UR = 8
U = UR * RPT
NB = 2
BLK = SC_COLS // NB
GPB = BLK // (UR * L)

TC_BLK = 4096
TC_NCB = (COLS - SC_COLS) // TC_BLK


def _lane_shuffle(v, perm):
  dnums = lax.GatherDimensionNumbers(
      offset_dims=(), collapsed_slice_dims=(0,), start_index_map=(0,))
  return lax.gather(v, perm[:, None], dnums, slice_sizes=(1,),
                    mode=lax.GatherScatterMode.PROMISE_IN_BOUNDS)


def _sc_body(x_hbm, vals_hbm, idxs_hbm, xv, val_v, idx_v, *sems):
  cid = lax.axis_index("c")
  sid = lax.axis_index("s")
  row0 = (cid * NS + sid) * RPT

  descs = []
  for r in range(RPT):
    for b in range(NB):
      d = pltpu.async_copy(
          x_hbm.at[pl.ds(row0 + r, 1), pl.ds(b * BLK, BLK)],
          xv.at[pl.ds(r, 1), pl.ds(b * BLK, BLK)],
          sems[r * NB + b])
      descs.append(d)

  iota = lax.iota(jnp.int32, L)

  rms = [jnp.full((L,), -jnp.inf, jnp.float32) for _ in range(U)]
  rcs = [jnp.zeros((L,), jnp.int32) for _ in range(U)]

  for b in range(NB):
    for r in range(RPT):
      descs[r * NB + b].wait()

    def scan_step(g, carry):
      rms = list(carry[:U])
      rcs = list(carry[U:])
      gvec = jnp.zeros((L,), jnp.int32) + g
      base = g * (UR * L)
      for k in range(U):
        r, kk = divmod(k, UR)
        chunk = xv[r, pl.ds(base + kk * L, L)]
        pred = chunk > rms[k]
        rms[k] = jnp.where(pred, chunk, rms[k])
        rcs[k] = jnp.where(pred, gvec, rcs[k])
      return tuple(rms) + tuple(rcs)

    carry = lax.fori_loop(b * GPB, (b + 1) * GPB, scan_step,
                          tuple(rms) + tuple(rcs))
    rms = list(carry[:U])
    rcs = list(carry[U:])

  for r in range(RPT):
    pairs = [(rms[r * UR + k], rcs[r * UR + k] * (UR * L) + (k * L + iota))
             for k in range(UR)]
    while len(pairs) > 1:
      nxt = []
      for a in range(0, len(pairs), 2):
        (m1, i1), (m2, i2) = pairs[a], pairs[a + 1]
        pred = (m2 > m1) | ((m2 == m1) & (i2 < i1))
        nxt.append((jnp.where(pred, m2, m1), jnp.where(pred, i2, i1)))
      pairs = nxt
    rm, ri = pairs[0]

    for sh in (8, 4, 2, 1):
      perm = (iota + sh) & (L - 1)
      other_m = _lane_shuffle(rm, perm)
      other_i = _lane_shuffle(ri, perm)
      pred = (other_m > rm) | ((other_m == rm) & (other_i < ri))
      rm = jnp.where(pred, other_m, rm)
      ri = jnp.where(pred, other_i, ri)

    val_v[r, pl.ds(0, L)] = rm
    idx_v[r, pl.ds(0, L)] = ri

  pltpu.sync_copy(val_v, vals_hbm.at[pl.ds(row0, RPT)])
  pltpu.sync_copy(idx_v, idxs_hbm.at[pl.ds(row0, RPT)])


def _tc_body(x_ref, vals_ref, idxs_ref):
  j = pl.program_id(0)
  chunk = x_ref[...]
  lm = jnp.max(chunk, axis=1, keepdims=True)
  ii = lax.broadcasted_iota(jnp.int32, chunk.shape, 1)
  la = jnp.min(jnp.where(chunk == lm, ii, COLS), axis=1,
               keepdims=True) + (SC_COLS + j * TC_BLK)

  @pl.when(j == 0)
  def _():
    vals_ref[...] = lm
    idxs_ref[...] = la

  @pl.when(j != 0)
  def _():
    pred = lm > vals_ref[...]
    idxs_ref[...] = jnp.where(pred, la, idxs_ref[...])
    vals_ref[...] = jnp.where(pred, lm, vals_ref[...])




@jax.jit
def _topk1(x):
  mesh = plsc.VectorSubcoreMesh(core_axis_name="c", subcore_axis_name="s")
  sc_vals, sc_idxs = pl.kernel(
      _sc_body,
      out_type=(
          jax.ShapeDtypeStruct((ROWS, L), jnp.float32),
          jax.ShapeDtypeStruct((ROWS, L), jnp.int32),
      ),
      mesh=mesh,
      scratch_types=[
          pltpu.VMEM((RPT, SC_COLS), jnp.float32),
          pltpu.VMEM((RPT, L), jnp.float32),
          pltpu.VMEM((RPT, L), jnp.int32),
      ] + [pltpu.SemaphoreType.DMA] * (RPT * NB),
  )(x)

  tc_vals, tc_idxs = pl.pallas_call(
      _tc_body,
      grid=(TC_NCB,),
      in_specs=[pl.BlockSpec((ROWS, TC_BLK),
                             lambda j: (0, j + SC_COLS // TC_BLK))],
      out_specs=[pl.BlockSpec((ROWS, 1), lambda j: (0, 0)),
                 pl.BlockSpec((ROWS, 1), lambda j: (0, 0))],
      out_shape=(
          jax.ShapeDtypeStruct((ROWS, 1), jnp.float32),
          jax.ShapeDtypeStruct((ROWS, 1), jnp.int32),
      ),
      compiler_params=pltpu.CompilerParams(
          dimension_semantics=("arbitrary",)),
  )(x)

  sv = sc_vals[:, :1]
  si = sc_idxs[:, :1]
  pred = tc_vals > sv
  vals = jnp.where(pred, tc_vals, sv)
  idxs = jnp.where(pred, tc_idxs, si)
  return vals, idxs


def kernel(x):
  return _topk1(x)

# --- scband reference (transcript-rebuilt; emitter-appended) ---
"""Pipeline reference for scband-model-17789754540511 (READ-ONLY COPY).

The authoritative reference and input builder live on the scoring server;
editing this copy changes nothing except your own understanding.
"""

import jax, jax.numpy as jnp
import numpy as np

def setup_inputs(seed: int = 0) -> dict:
    key = jax.random.key(seed)
    x = jax.random.normal(key, (64, 32768), dtype=jnp.float32)
    return {"x": x}

def reference(x):
    # Faithful translation of tf.math.top_k(x, 1): returns (values, indices)
    values, indices = jax.lax.top_k(x, 1)
    return values, indices

if __name__ == "__main__":
    import jax
    _d = setup_inputs()
    print(jax.jit(kernel)(*tuple(_d.values())))

</pallas_src>

<mosaic_0001>
#map = affine_map<(d0, d1) -> (0, 0)>
module attributes {stable_mosaic.version = 14 : i64} {
  func.func @_sc_body(%arg0: i32, %arg1: i32, %arg2: memref<64x32768xf32, #tpu.memory_space<hbm>>, %arg3: memref<64x16xf32, #tpu.memory_space<hbm>>, %arg4: memref<64x16xi32, #tpu.memory_space<hbm>>, %arg5: memref<2x12288xf32, #tpu.memory_space<vmem>>, %arg6: memref<2x16xf32, #tpu.memory_space<vmem>>, %arg7: memref<2x16xi32, #tpu.memory_space<vmem>>, %arg8: memref<!tpu.dma_semaphore, #tpu.memory_space<semaphore_mem>>, %arg9: memref<!tpu.dma_semaphore, #tpu.memory_space<semaphore_mem>>, %arg10: memref<!tpu.dma_semaphore, #tpu.memory_space<semaphore_mem>>, %arg11: memref<!tpu.dma_semaphore, #tpu.memory_space<semaphore_mem>>) attributes {dimension_semantics = [#tpu.dimension_semantics<core_parallel>, #tpu.dimension_semantics<subcore_parallel>], iteration_bounds = array<i64: 2, 16>, scalar_prefetch = 0 : i64, scratch_operands = 7 : i64, tpu.core_type = #tpu.core_type<sc_vector_subcore>, window_params = [{transform_indices = #map}, {transform_indices = #map}, {transform_indices = #map}]} {
    %mul3A = arith.constant 16 : i32
    %mul3A_0 = arith.muli %arg0, %mul3A : i32
    %add3A = arith.addi %mul3A_0, %arg1 : i32
    %mul3A_1 = arith.constant 2 : i32
    %mul3A_2 = arith.muli %add3A, %mul3A_1 : i32
    %add3A_3 = arith.constant 0 : i32
    %add3A_4 = arith.addi %mul3A_2, %add3A_3 : i32
    %dma_start3A = arith.constant 0 : i32
    %dma_start3A_5 = arith.constant 0 : i32
    %dma_start3A_6 = tpu.memref_slice %arg5[%dma_start3A, %dma_start3A_5] : memref<2x12288xf32, #tpu.memory_space<vmem>> -> memref<1x6144xf32, #tpu.memory_space<vmem>>
    %dma_start3A_7 = arith.constant 0 : i32
    %dma_start3A_8 = tpu.memref_slice %arg2[%add3A_4, %dma_start3A_7] : memref<64x32768xf32, #tpu.memory_space<hbm>> -> memref<1x6144xf32, #tpu.memory_space<hbm>>
    %dma_start3A_9 = arith.constant 0 : i32
    %dma_start3A_10 = arith.constant 0 : i32
    %dma_start3A_11 = tpu.memref_slice %arg5[%dma_start3A_9, %dma_start3A_10] : memref<2x12288xf32, #tpu.memory_space<vmem>> -> memref<1x6144xf32, #tpu.memory_space<vmem>>
    %dma_start3A_12 = arith.constant 0 : i32
    %dma_start3A_13 = tpu.memref_slice %arg2[%add3A_4, %dma_start3A_12] : memref<64x32768xf32, #tpu.memory_space<hbm>> -> memref<1x6144xf32, #tpu.memory_space<hbm>>
    tpu.enqueue_dma source(%dma_start3A_13 : memref<1x6144xf32, #tpu.memory_space<hbm>>) target(%dma_start3A_11 : memref<1x6144xf32, #tpu.memory_space<vmem>>) target_semaphore(%arg8 : memref<!tpu.dma_semaphore, #tpu.memory_space<semaphore_mem>>)
    %add3A_14 = arith.constant 0 : i32
    %add3A_15 = arith.addi %mul3A_2, %add3A_14 : i32
    %dma_start3A_16 = arith.constant 0 : i32
    %dma_start3A_17 = arith.constant 6144 : i32
    %dma_start3A_18 = tpu.memref_slice %arg5[%dma_start3A_16, %dma_start3A_17] : memref<2x12288xf32, #tpu.memory_space<vmem>> -> memref<1x6144xf32, #tpu.memory_space<vmem>>
    %dma_start3A_19 = arith.constant 6144 : i32
    %dma_start3A_20 = tpu.memref_slice %arg2[%add3A_15, %dma_start3A_19] : memref<64x32768xf32, #tpu.memory_space<hbm>> -> memref<1x6144xf32, #tpu.memory_space<hbm>>
    %dma_start3A_21 = arith.constant 0 : i32
    %dma_start3A_22 = arith.constant 6144 : i32
    %dma_start3A_23 = tpu.memref_slice %arg5[%dma_start3A_21, %dma_start3A_22] : memref<2x12288xf32, #tpu.memory_space<vmem>> -> memref<1x6144xf32, #tpu.memory_space<vmem>>
    %dma_start3A_24 = arith.constant 6144 : i32
    %dma_start3A_25 = tpu.memref_slice %arg2[%add3A_15, %dma_start3A_24] : memref<64x32768xf32, #tpu.memory_space<hbm>> -> memref<1x6144xf32, #tpu.memory_space<hbm>>
    tpu.enqueue_dma source(%dma_start3A_25 : memref<1x6144xf32, #tpu.memory_space<hbm>>) target(%dma_start3A_23 : memref<1x6144xf32, #tpu.memory_space<vmem>>) target_semaphore(%arg9 : memref<!tpu.dma_semaphore, #tpu.memory_space<semaphore_mem>>)
    %add3A_26 = arith.constant 1 : i32
    %add3A_27 = arith.addi %mul3A_2, %add3A_26 : i32
    %dma_start3A_28 = arith.constant 1 : i32
    %dma_start3A_29 = arith.constant 0 : i32
    %dma_start3A_30 = tpu.memref_slice %arg5[%dma_start3A_28, %dma_start3A_29] : memref<2x12288xf32, #tpu.memory_space<vmem>> -> memref<1x6144xf32, #tpu.memory_space<vmem>>
    %dma_start3A_31 = arith.constant 0 : i32
    %dma_start3A_32 = tpu.memref_slice %arg2[%add3A_27, %dma_start3A_31] : memref<64x32768xf32, #tpu.memory_space<hbm>> -> memref<1x6144xf32, #tpu.memory_space<hbm>>
    %dma_start3A_33 = arith.constant 1 : i32
    %dma_start3A_34 = arith.constant 0 : i32
    %dma_start3A_35 = tpu.memref_slice %arg5[%dma_start3A_33, %dma_start3A_34] : memref<2x12288xf32, #tpu.memory_space<vmem>> -> memref<1x6144xf32, #tpu.memory_space<vmem>>
    %dma_start3A_36 = arith.constant 0 : i32
    %dma_start3A_37 = tpu.memref_slice %arg2[%add3A_27, %dma_start3A_36] : memref<64x32768xf32, #tpu.memory_space<hbm>> -> memref<1x6144xf32, #tpu.memory_space<hbm>>
    tpu.enqueue_dma source(%dma_start3A_37 : memref<1x6144xf32, #tpu.memory_space<hbm>>) target(%dma_start3A_35 : memref<1x6144xf32, #tpu.memory_space<vmem>>) target_semaphore(%arg10 : memref<!tpu.dma_semaphore, #tpu.memory_space<semaphore_mem>>)
    %add3A_38 = arith.constant 1 : i32
    %add3A_39 = arith.addi %mul3A_2, %add3A_38 : i32
    %dma_start3A_40 = arith.constant 1 : i32
    %dma_start3A_41 = arith.constant 6144 : i32
    %dma_start3A_42 = tpu.memref_slice %arg5[%dma_start3A_40, %dma_start3A_41] : memref<2x12288xf32, #tpu.memory_space<vmem>> -> memref<1x6144xf32, #tpu.memory_space<vmem>>
    %dma_start3A_43 = arith.constant 6144 : i32
    %dma_start3A_44 = tpu.memref_slice %arg2[%add3A_39, %dma_start3A_43] : memref<64x32768xf32, #tpu.memory_space<hbm>> -> memref<1x6144xf32, #tpu.memory_space<hbm>>
    %dma_start3A_45 = arith.constant 1 : i32
    %dma_start3A_46 = arith.constant 6144 : i32
    %dma_start3A_47 = tpu.memref_slice %arg5[%dma_start3A_45, %dma_start3A_46] : memref<2x12288xf32, #tpu.memory_space<vmem>> -> memref<1x6144xf32, #tpu.memory_space<vmem>>
    %dma_start3A_48 = arith.constant 6144 : i32
    %dma_start3A_49 = tpu.memref_slice %arg2[%add3A_39, %dma_start3A_48] : memref<64x32768xf32, #tpu.memory_space<hbm>> -> memref<1x6144xf32, #tpu.memory_space<hbm>>
    tpu.enqueue_dma source(%dma_start3A_49 : memref<1x6144xf32, #tpu.memory_space<hbm>>) target(%dma_start3A_47 : memref<1x6144xf32, #tpu.memory_space<vmem>>) target_semaphore(%arg11 : memref<!tpu.dma_semaphore, #tpu.memory_space<semaphore_mem>>)
    %iota3A = tpu.iota {dimensions = array<i32: 0>} : vector<16xi32>
    %broadcast_in_dim3A = arith.constant 0xFF800000 : f32
    %broadcast_in_dim3A_50 = vector.broadcast %broadcast_in_dim3A : f32 to vector<16xf32>
    %broadcast_in_dim3A_51 = arith.constant 0xFF800000 : f32
    %broadcast_in_dim3A_52 = vector.broadcast %broadcast_in_dim3A_51 : f32 to vector<16xf32>
    %broadcast_in_dim3A_53 = arith.constant 0xFF800000 : f32
    %broadcast_in_dim3A_54 = vector.broadcast %broadcast_in_dim3A_53 : f32 to vector<16xf32>
    %broadcast_in_dim3A_55 = arith.constant 0xFF800000 : f32
    %broadcast_in_dim3A_56 = vector.broadcast %broadcast_in_dim3A_55 : f32 to vector<16xf32>
    %broadcast_in_dim3A_57 = arith.constant 0xFF800000 : f32
    %broadcast_in_dim3A_58 = vector.broadcast %broadcast_in_dim3A_57 : f32 to vector<16xf32>
    %broadcast_in_dim3A_59 = arith.constant 0xFF800000 : f32
    %broadcast_in_dim3A_60 = vector.broadcast %broadcast_in_dim3A_59 : f32 to vector<16xf32>
    %broadcast_in_dim3A_61 = arith.constant 0xFF800000 : f32
    %broadcast_in_dim3A_62 = vector.broadcast %broadcast_in_dim3A_61 : f32 to vector<16xf32>
    %broadcast_in_dim3A_63 = arith.constant 0xFF800000 : f32
    %broadcast_in_dim3A_64 = vector.broadcast %broadcast_in_dim3A_63 : f32 to vector<16xf32>
    %broadcast_in_dim3A_65 = arith.constant 0xFF800000 : f32
    %broadcast_in_dim3A_66 = vector.broadcast %broadcast_in_dim3A_65 : f32 to vector<16xf32>
    %broadcast_in_dim3A_67 = arith.constant 0xFF800000 : f32
    %broadcast_in_dim3A_68 = vector.broadcast %broadcast_in_dim3A_67 : f32 to vector<16xf32>
    %broadcast_in_dim3A_69 = arith.constant 0xFF800000 : f32
    %broadcast_in_dim3A_70 = vector.broadcast %broadcast_in_dim3A_69 : f32 to vector<16xf32>
    %broadcast_in_dim3A_71 = arith.constant 0xFF800000 : f32
    %broadcast_in_dim3A_72 = vector.broadcast %broadcast_in_dim3A_71 : f32 to vector<16xf32>
    %broadcast_in_dim3A_73 = arith.constant 0xFF800000 : f32
    %broadcast_in_dim3A_74 = vector.broadcast %broadcast_in_dim3A_73 : f32 to vector<16xf32>
    %broadcast_in_dim3A_75 = arith.constant 0xFF800000 : f32
    %broadcast_in_dim3A_76 = vector.broadcast %broadcast_in_dim3A_75 : f32 to vector<16xf32>
    %broadcast_in_dim3A_77 = arith.constant 0xFF800000 : f32
    %broadcast_in_dim3A_78 = vector.broadcast %broadcast_in_dim3A_77 : f32 to vector<16xf32>
    %broadcast_in_dim3A_79 = arith.constant 0xFF800000 : f32
    %broadcast_in_dim3A_80 = vector.broadcast %broadcast_in_dim3A_79 : f32 to vector<16xf32>
    %broadcast_in_dim3A_81 = arith.constant 0 : i32
    %broadcast_in_dim3A_82 = vector.broadcast %broadcast_in_dim3A_81 : i32 to vector<16xi32>
    %broadcast_in_dim3A_83 = arith.constant 0 : i32
    %broadcast_in_dim3A_84 = vector.broadcast %broadcast_in_dim3A_83 : i32 to vector<16xi32>
    %broadcast_in_dim3A_85 = arith.constant 0 : i32
    %broadcast_in_dim3A_86 = vector.broadcast %broadcast_in_dim3A_85 : i32 to vector<16xi32>
    %broadcast_in_dim3A_87 = arith.constant 0 : i32
    %broadcast_in_dim3A_88 = vector.broadcast %broadcast_in_dim3A_87 : i32 to vector<16xi32>
    %broadcast_in_dim3A_89 = arith.constant 0 : i32
    %broadcast_in_dim3A_90 = vector.broadcast %broadcast_in_dim3A_89 : i32 to vector<16xi32>
    %broadcast_in_dim3A_91 = arith.constant 0 : i32
    %broadcast_in_dim3A_92 = vector.broadcast %broadcast_in_dim3A_91 : i32 to vector<16xi32>
    %broadcast_in_dim3A_93 = arith.constant 0 : i32
    %broadcast_in_dim3A_94 = vector.broadcast %broadcast_in_dim3A_93 : i32 to vector<16xi32>
    %broadcast_in_dim3A_95 = arith.constant 0 : i32
    %broadcast_in_dim3A_96 = vector.broadcast %broadcast_in_dim3A_95 : i32 to vector<16xi32>
    %broadcast_in_dim3A_97 = arith.constant 0 : i32
    %broadcast_in_dim3A_98 = vector.broadcast %broadcast_in_dim3A_97 : i32 to vector<16xi32>
    %broadcast_in_dim3A_99 = arith.constant 0 : i32
    %broadcast_in_dim3A_100 = vector.broadcast %broadcast_in_dim3A_99 : i32 to vector<16xi32>
    %broadcast_in_dim3A_101 = arith.constant 0 : i32
    %broadcast_in_dim3A_102 = vector.broadcast %broadcast_in_dim3A_101 : i32 to vector<16xi32>
    %broadcast_in_dim3A_103 = arith.constant 0 : i32
    %broadcast_in_dim3A_104 = vector.broadcast %broadcast_in_dim3A_103 : i32 to vector<16xi32>
    %broadcast_in_dim3A_105 = arith.constant 0 : i32
    %broadcast_in_dim3A_106 = vector.broadcast %broadcast_in_dim3A_105 : i32 to vector<16xi32>
    %broadcast_in_dim3A_107 = arith.constant 0 : i32
    %broadcast_in_dim3A_108 = vector.broadcast %broadcast_in_dim3A_107 : i32 to vector<16xi32>
    %broadcast_in_dim3A_109 = arith.constant 0 : i32
    %broadcast_in_dim3A_110 = vector.broadcast %broadcast_in_dim3A_109 : i32 to vector<16xi32>
    %broadcast_in_dim3A_111 = arith.constant 0 : i32
    %broadcast_in_dim3A_112 = vector.broadcast %broadcast_in_dim3A_111 : i32 to vector<16xi32>
    %dma_wait3A = arith.constant 0 : i32
    %dma_wait3A_113 = arith.constant 0 : i32
    %dma_wait3A_114 = tpu.memref_slice %arg5[%dma_wait3A, %dma_wait3A_113] : memref<2x12288xf32, #tpu.memory_space<vmem>> -> memref<1x6144xf32, #tpu.memory_space<vmem>>
    %dma_wait3A_115 = arith.constant 0 : i32
    %dma_wait3A_116 = tpu.memref_slice %arg2[%add3A_4, %dma_wait3A_115] : memref<64x32768xf32, #tpu.memory_space<hbm>> -> memref<1x6144xf32, #tpu.memory_space<hbm>>
    %dma_wait3A_117 = arith.constant 0 : i32
    %dma_wait3A_118 = arith.constant 0 : i32
    %dma_wait3A_119 = tpu.memref_slice %arg5[%dma_wait3A_117, %dma_wait3A_118] : memref<2x12288xf32, #tpu.memory_space<vmem>> -> memref<1x6144xf32, #tpu.memory_space<vmem>>
    %dma_wait3A_120 = arith.constant 0 : i32
    %dma_wait3A_121 = tpu.memref_slice %arg2[%add3A_4, %dma_wait3A_120] : memref<64x32768xf32, #tpu.memory_space<hbm>> -> memref<1x6144xf32, #tpu.memory_space<hbm>>
    tpu.wait_dma2 semaphore(%arg8 : memref<!tpu.dma_semaphore, #tpu.memory_space<semaphore_mem>>) src(%dma_wait3A_121 : memref<1x6144xf32, #tpu.memory_space<hbm>>) dst(%dma_wait3A_119 : memref<1x6144xf32, #tpu.memory_space<vmem>>)
    %dma_wait3A_122 = arith.constant 1 : i32
    %dma_wait3A_123 = arith.constant 0 : i32
    %dma_wait3A_124 = tpu.memref_slice %arg5[%dma_wait3A_122, %dma_wait3A_123] : memref<2x12288xf32, #tpu.memory_space<vmem>> -> memref<1x6144xf32, #tpu.memory_space<vmem>>
    %dma_wait3A_125 = arith.constant 0 : i32
    %dma_wait3A_126 = tpu.memref_slice %arg2[%add3A_27, %dma_wait3A_125] : memref<64x32768xf32, #tpu.memory_space<hbm>> -> memref<1x6144xf32, #tpu.memory_space<hbm>>
    %dma_wait3A_127 = arith.constant 1 : i32
    %dma_wait3A_128 = arith.constant 0 : i32
    %dma_wait3A_129 = tpu.memref_slice %arg5[%dma_wait3A_127, %dma_wait3A_128] : memref<2x12288xf32, #tpu.memory_space<vmem>> -> memref<1x6144xf32, #tpu.memory_space<vmem>>
    %dma_wait3A_130 = arith.constant 0 : i32
    %dma_wait3A_131 = tpu.memref_slice %arg2[%add3A_27, %dma_wait3A_130] : memref<64x32768xf32, #tpu.memory_space<hbm>> -> memref<1x6144xf32, #tpu.memory_space<hbm>>
    tpu.wait_dma2 semaphore(%arg10 : memref<!tpu.dma_semaphore, #tpu.memory_space<semaphore_mem>>) src(%dma_wait3A_131 : memref<1x6144xf32, #tpu.memory_space<hbm>>) dst(%dma_wait3A_129 : memref<1x6144xf32, #tpu.memory_space<vmem>>)
    %scan3A = arith.constant 0 : i32
    %scan3A_132 = arith.constant 48 : i32
    %scan3A_133 = arith.addi %scan3A, %scan3A_132 : i32
    %scan3A_134 = arith.constant 1 : i32
    %scan3A_135:32 = scf.for %scan3A_541 = %scan3A to %scan3A_133 step %scan3A_134 iter_args(%scan3A_542 = %broadcast_in_dim3A_50, %scan3A_543 = %broadcast_in_dim3A_52, %scan3A_544 = %broadcast_in_dim3A_54, %scan3A_545 = %broadcast_in_dim3A_56, %scan3A_546 = %broadcast_in_dim3A_58, %scan3A_547 = %broadcast_in_dim3A_60, %scan3A_548 = %broadcast_in_dim3A_62, %scan3A_549 = %broadcast_in_dim3A_64, %scan3A_550 = %broadcast_in_dim3A_66, %scan3A_551 = %broadcast_in_dim3A_68, %scan3A_552 = %broadcast_in_dim3A_70, %scan3A_553 = %broadcast_in_dim3A_72, %scan3A_554 = %broadcast_in_dim3A_74, %scan3A_555 = %broadcast_in_dim3A_76, %scan3A_556 = %broadcast_in_dim3A_78, %scan3A_557 = %broadcast_in_dim3A_80, %scan3A_558 = %broadcast_in_dim3A_82, %scan3A_559 = %broadcast_in_dim3A_84, %scan3A_560 = %broadcast_in_dim3A_86, %scan3A_561 = %broadcast_in_dim3A_88, %scan3A_562 = %broadcast_in_dim3A_90, %scan3A_563 = %broadcast_in_dim3A_92, %scan3A_564 = %broadcast_in_dim3A_94, %scan3A_565 = %broadcast_in_dim3A_96, %scan3A_566 = %broadcast_in_dim3A_98, %scan3A_567 = %broadcast_in_dim3A_100, %scan3A_568 = %broadcast_in_dim3A_102, %scan3A_569 = %broadcast_in_dim3A_104, %scan3A_570 = %broadcast_in_dim3A_106, %scan3A_571 = %broadcast_in_dim3A_108, %scan3A_572 = %broadcast_in_dim3A_110, %scan3A_573 = %broadcast_in_dim3A_112) -> (vector<16xf32>, vector<16xf32>, vector<16xf32>, vector<16xf32>, vector<16xf32>, vector<16xf32>, vector<16xf32>, vector<16xf32>, vector<16xf32>, vector<16xf32>, vector<16xf32>, vector<16xf32>, vector<16xf32>, vector<16xf32>, vector<16xf32>, vector<16xf32>, vector<16xi32>, vector<16xi32>, vector<16xi32>, vector<16xi32>, vector<16xi32>, vector<16xi32>, vector<16xi32>, vector<16xi32>, vector<16xi32>, vector<16xi32>, vector<16xi32>, vector<16xi32>, vector<16xi32>, vector<16xi32>, vector<16xi32>, vector<16xi32>)  : i32 {
      %broadcast_in_dim3A_574 = arith.constant 0 : i32
      %broadcast_in_dim3A_575 = vector.broadcast %broadcast_in_dim3A_574 : i32 to vector<16xi32>
      %add3A_576 = vector.broadcast %scan3A_541 : i32 to vector<16xi32>
      %add3A_577 = arith.addi %broadcast_in_dim3A_575, %add3A_576 : vector<16xi32>
      %mul3A_578 = arith.constant 128 : i32
      %mul3A_579 = arith.muli %scan3A_541, %mul3A_578 : i32
      %add3A_580 = arith.constant 0 : i32
      %add3A_581 = arith.addi %mul3A_579, %add3A_580 : i32
      %get3A = arith.constant 0 : i32
      %get3A_582 = arith.index_cast %get3A : i32 to index
      %get3A_583 = arith.index_cast %add3A_581 : i32 to index
      %get3A_584 = tpu.vector_load %arg5[%get3A_582, %get3A_583] {strides = array<i32>} : memref<2x12288xf32, #tpu.memory_space<vmem>>, vector<1x16xf32>,
      %get3A_585 = vector.shape_cast %get3A_584 : vector<1x16xf32> to vector<16xf32>
      %gt3A_586 = arith.cmpf ogt, %get3A_585, %scan3A_542 : vector<16xf32>
      %select_n3A_587 = arith.select %gt3A_586, %get3A_585, %scan3A_542 : vector<16xi1>, vector<16xf32>
      %select_n3A_588 = arith.select %gt3A_586, %add3A_577, %scan3A_558 : vector<16xi1>, vector<16xi32>
      %add3A_589 = arith.constant 16 : i32
      %add3A_590 = arith.addi %mul3A_579, %add3A_589 : i32
      %get3A_591 = arith.constant 0 : i32
      %get3A_592 = arith.index_cast %get3A_591 : i32 to index
      %get3A_593 = arith.index_cast %add3A_590 : i32 to index
      %get3A_594 = tpu.vector_load %arg5[%get3A_592, %get3A_593] {strides = array<i32>} : memref<2x12288xf32, #tpu.memory_space<vmem>>, vector<1x16xf32>,
      %get3A_595 = vector.shape_cast %get3A_594 : vector<1x16xf32> to vector<16xf32>
      %gt3A_596 = arith.cmpf ogt, %get3A_595, %scan3A_543 : vector<16xf32>
      %select_n3A_597 = arith.select %gt3A_596, %get3A_595, %scan3A_543 : vector<16xi1>, vector<16xf32>
      %select_n3A_598 = arith.select %gt3A_596, %add3A_577, %scan3A_559 : vector<16xi1>, vector<16xi32>
      %add3A_599 = arith.constant 32 : i32
      %add3A_600 = arith.addi %mul3A_579, %add3A_599 : i32
      %get3A_601 = arith.constant 0 : i32
      %get3A_602 = arith.index_cast %get3A_601 : i32 to index
      %get3A_603 = arith.index_cast %add3A_600 : i32 to index
      %get3A_604 = tpu.vector_load %arg5[%get3A_602, %get3A_603] {strides = array<i32>} : memref<2x12288xf32, #tpu.memory_space<vmem>>, vector<1x16xf32>,
      %get3A_605 = vector.shape_cast %get3A_604 : vector<1x16xf32> to vector<16xf32>
      %gt3A_606 = arith.cmpf ogt, %get3A_605, %scan3A_544 : vector<16xf32>
      %select_n3A_607 = arith.select %gt3A_606, %get3A_605, %scan3A_544 : vector<16xi1>, vector<16xf32>
      %select_n3A_608 = arith.select %gt3A_606, %add3A_577, %scan3A_560 : vector<16xi1>, vector<16xi32>
      %add3A_609 = arith.constant 48 : i32
      %add3A_610 = arith.addi %mul3A_579, %add3A_609 : i32
      %get3A_611 = arith.constant 0 : i32
      %get3A_612 = arith.index_cast %get3A_611 : i32 to index
      %get3A_613 = arith.index_cast %add3A_610 : i32 to index
      %get3A_614 = tpu.vector_load %arg5[%get3A_612, %get3A_613] {strides = array<i32>} : memref<2x12288xf32, #tpu.memory_space<vmem>>, vector<1x16xf32>,
      %get3A_615 = vector.shape_cast %get3A_614 : vector<1x16xf32> to vector<16xf32>
      %gt3A_616 = arith.cmpf ogt, %get3A_615, %scan3A_545 : vector<16xf32>
      %select_n3A_617 = arith.select %gt3A_616, %get3A_615, %scan3A_545 : vector<16xi1>, vector<16xf32>
      %select_n3A_618 = arith.select %gt3A_616, %add3A_577, %scan3A_561 : vector<16xi1>, vector<16xi32>
      %add3A_619 = arith.constant 64 : i32
      %add3A_620 = arith.addi %mul3A_579, %add3A_619 : i32
      %get3A_621 = arith.constant 0 : i32
      %get3A_622 = arith.index_cast %get3A_621 : i32 to index
      %get3A_623 = arith.index_cast %add3A_620 : i32 to index
      %get3A_624 = tpu.vector_load %arg5[%get3A_622, %get3A_623] {strides = array<i32>} : memref<2x12288xf32, #tpu.memory_space<vmem>>, vector<1x16xf32>,
      %get3A_625 = vector.shape_cast %get3A_624 : vector<1x16xf32> to vector<16xf32>
      %gt3A_626 = arith.cmpf ogt, %get3A_625, %scan3A_546 : vector<16xf32>
      %select_n3A_627 = arith.select %gt3A_626, %get3A_625, %scan3A_546 : vector<16xi1>, vector<16xf32>
      %select_n3A_628 = arith.select %gt3A_626, %add3A_577, %scan3A_562 : vector<16xi1>, vector<16xi32>
      %add3A_629 = arith.constant 80 : i32
      %add3A_630 = arith.addi %mul3A_579, %add3A_629 : i32
      %get3A_631 = arith.constant 0 : i32
      %get3A_632 = arith.index_cast %get3A_631 : i32 to index
      %get3A_633 = arith.index_cast %add3A_630 : i32 to index
      %get3A_634 = tpu.vector_load %arg5[%get3A_632, %get3A_633] {strides = array<i32>} : memref<2x12288xf32, #tpu.memory_space<vmem>>, vector<1x16xf32>,
      %get3A_635 = vector.shape_cast %get3A_634 : vector<1x16xf32> to vector<16xf32>
      %gt3A_636 = arith.cmpf ogt, %get3A_635, %scan3A_547 : vector<16xf32>
      %select_n3A_637 = arith.select %gt3A_636, %get3A_635, %scan3A_547 : vector<16xi1>, vector<16xf32>
      %select_n3A_638 = arith.select %gt3A_636, %add3A_577, %scan3A_563 : vector<16xi1>, vector<16xi32>
      %add3A_639 = arith.constant 96 : i32
      %add3A_640 = arith.addi %mul3A_579, %add3A_639 : i32
      %get3A_641 = arith.constant 0 : i32
      %get3A_642 = arith.index_cast %get3A_641 : i32 to index
      %get3A_643 = arith.index_cast %add3A_640 : i32 to index
      %get3A_644 = tpu.vector_load %arg5[%get3A_642, %get3A_643] {strides = array<i32>} : memref<2x12288xf32, #tpu.memory_space<vmem>>, vector<1x16xf32>,
      %get3A_645 = vector.shape_cast %get3A_644 : vector<1x16xf32> to vector<16xf32>
      %gt3A_646 = arith.cmpf ogt, %get3A_645, %scan3A_548 : vector<16xf32>
      %select_n3A_647 = arith.select %gt3A_646, %get3A_645, %scan3A_548 : vector<16xi1>, vector<16xf32>
      %select_n3A_648 = arith.select %gt3A_646, %add3A_577, %scan3A_564 : vector<16xi1>, vector<16xi32>
      %add3A_649 = arith.constant 112 : i32
      %add3A_650 = arith.addi %mul3A_579, %add3A_649 : i32
      %get3A_651 = arith.constant 0 : i32
      %get3A_652 = arith.index_cast %get3A_651 : i32 to index
      %get3A_653 = arith.index_cast %add3A_650 : i32 to index
      %get3A_654 = tpu.vector_load %arg5[%get3A_652, %get3A_653] {strides = array<i32>} : memref<2x12288xf32, #tpu.memory_space<vmem>>, vector<1x16xf32>,
      %get3A_655 = vector.shape_cast %get3A_654 : vector<1x16xf32> to vector<16xf32>
      %gt3A_656 = arith.cmpf ogt, %get3A_655, %scan3A_549 : vector<16xf32>
      %select_n3A_657 = arith.select %gt3A_656, %get3A_655, %scan3A_549 : vector<16xi1>, vector<16xf32>
      %select_n3A_658 = arith.select %gt3A_656, %add3A_577, %scan3A_565 : vector<16xi1>, vector<16xi32>
      %add3A_659 = arith.constant 0 : i32
      %add3A_660 = arith.addi %mul3A_579, %add3A_659 : i32
      %get3A_661 = arith.constant 1 : i32
      %get3A_662 = arith.index_cast %get3A_661 : i32 to index
      %get3A_663 = arith.index_cast %add3A_660 : i32 to index
      %get3A_664 = tpu.vector_load %arg5[%get3A_662, %get3A_663] {strides = array<i32>} : memref<2x12288xf32, #tpu.memory_space<vmem>>, vector<1x16xf32>,
      %get3A_665 = vector.shape_cast %get3A_664 : vector<1x16xf32> to vector<16xf32>
      %gt3A_666 = arith.cmpf ogt, %get3A_665, %scan3A_550 : vector<16xf32>
      %select_n3A_667 = arith.select %gt3A_666, %get3A_665, %scan3A_550 : vector<16xi1>, vector<16xf32>
      %select_n3A_668 = arith.select %gt3A_666, %add3A_577, %scan3A_566 : vector<16xi1>, vector<16xi32>
      %add3A_669 = arith.constant 16 : i32
      %add3A_670 = arith.addi %mul3A_579, %add3A_669 : i32
      %get3A_671 = arith.constant 1 : i32
      %get3A_672 = arith.index_cast %get3A_671 : i32 to index
      %get3A_673 = arith.index_cast %add3A_670 : i32 to index
      %get3A_674 = tpu.vector_load %arg5[%get3A_672, %get3A_673] {strides = array<i32>} : memref<2x12288xf32, #tpu.memory_space<vmem>>, vector<1x16xf32>,
      %get3A_675 = vector.shape_cast %get3A_674 : vector<1x16xf32> to vector<16xf32>
      %gt3A_676 = arith.cmpf ogt, %get3A_675, %scan3A_551 : vector<16xf32>
      %select_n3A_677 = arith.select %gt3A_676, %get3A_675, %scan3A_551 : vector<16xi1>, vector<16xf32>
      %select_n3A_678 = arith.select %gt3A_676, %add3A_577, %scan3A_567 : vector<16xi1>, vector<16xi32>
      %add3A_679 = arith.constant 32 : i32
      %add3A_680 = arith.addi %mul3A_579, %add3A_679 : i32
      %get3A_681 = arith.constant 1 : i32
      %get3A_682 = arith.index_cast %get3A_681 : i32 to index
      %get3A_683 = arith.index_cast %add3A_680 : i32 to index
      %get3A_684 = tpu.vector_load %arg5[%get3A_682, %get3A_683] {strides = array<i32>} : memref<2x12288xf32, #tpu.memory_space<vmem>>, vector<1x16xf32>,
      %get3A_685 = vector.shape_cast %get3A_684 : vector<1x16xf32> to vector<16xf32>
      %gt3A_686 = arith.cmpf ogt, %get3A_685, %scan3A_552 : vector<16xf32>
      %select_n3A_687 = arith.select %gt3A_686, %get3A_685, %scan3A_552 : vector<16xi1>, vector<16xf32>
      %select_n3A_688 = arith.select %gt3A_686, %add3A_577, %scan3A_568 : vector<16xi1>, vector<16xi32>
      %add3A_689 = arith.constant 48 : i32
      %add3A_690 = arith.addi %mul3A_579, %add3A_689 : i32
      %get3A_691 = arith.constant 1 : i32
      %get3A_692 = arith.index_cast %get3A_691 : i32 to index
      %get3A_693 = arith.index_cast %add3A_690 : i32 to index
      %get3A_694 = tpu.vector_load %arg5[%get3A_692, %get3A_693] {strides = array<i32>} : memref<2x12288xf32, #tpu.memory_space<vmem>>, vector<1x16xf32>,
      %get3A_695 = vector.shape_cast %get3A_694 : vector<1x16xf32> to vector<16xf32>
      %gt3A_696 = arith.cmpf ogt, %get3A_695, %scan3A_553 : vector<16xf32>
      %select_n3A_697 = arith.select %gt3A_696, %get3A_695, %scan3A_553 : vector<16xi1>, vector<16xf32>
      %select_n3A_698 = arith.select %gt3A_696, %add3A_577, %scan3A_569 : vector<16xi1>, vector<16xi32>
      %add3A_699 = arith.constant 64 : i32
      %add3A_700 = arith.addi %mul3A_579, %add3A_699 : i32
      %get3A_701 = arith.constant 1 : i32
      %get3A_702 = arith.index_cast %get3A_701 : i32 to index
      %get3A_703 = arith.index_cast %add3A_700 : i32 to index
      %get3A_704 = tpu.vector_load %arg5[%get3A_702, %get3A_703] {strides = array<i32>} : memref<2x12288xf32, #tpu.memory_space<vmem>>, vector<1x16xf32>,
      %get3A_705 = vector.shape_cast %get3A_704 : vector<1x16xf32> to vector<16xf32>
      %gt3A_706 = arith.cmpf ogt, %get3A_705, %scan3A_554 : vector<16xf32>
      %select_n3A_707 = arith.select %gt3A_706, %get3A_705, %scan3A_554 : vector<16xi1>, vector<16xf32>
      %select_n3A_708 = arith.select %gt3A_706, %add3A_577, %scan3A_570 : vector<16xi1>, vector<16xi32>
      %add3A_709 = arith.constant 80 : i32
      %add3A_710 = arith.addi %mul3A_579, %add3A_709 : i32
      %get3A_711 = arith.constant 1 : i32
      %get3A_712 = arith.index_cast %get3A_711 : i32 to index
      %get3A_713 = arith.index_cast %add3A_710 : i32 to index
      %get3A_714 = tpu.vector_load %arg5[%get3A_712, %get3A_713] {strides = array<i32>} : memref<2x12288xf32, #tpu.memory_space<vmem>>, vector<1x16xf32>,
      %get3A_715 = vector.shape_cast %get3A_714 : vector<1x16xf32> to vector<16xf32>
      %gt3A_716 = arith.cmpf ogt, %get3A_715, %scan3A_555 : vector<16xf32>
      %select_n3A_717 = arith.select %gt3A_716, %get3A_715, %scan3A_555 : vector<16xi1>, vector<16xf32>
      %select_n3A_718 = arith.select %gt3A_716, %add3A_577, %scan3A_571 : vector<16xi1>, vector<16xi32>
      %add3A_719 = arith.constant 96 : i32
      %add3A_720 = arith.addi %mul3A_579, %add3A_719 : i32
      %get3A_721 = arith.constant 1 : i32
      %get3A_722 = arith.index_cast %get3A_721 : i32 to index
      %get3A_723 = arith.index_cast %add3A_720 : i32 to index
      %get3A_724 = tpu.vector_load %arg5[%get3A_722, %get3A_723] {strides = array<i32>} : memref<2x12288xf32, #tpu.memory_space<vmem>>, vector<1x16xf32>,
      %get3A_725 = vector.shape_cast %get3A_724 : vector<1x16xf32> to vector<16xf32>
      %gt3A_726 = arith.cmpf ogt, %get3A_725, %scan3A_556 : vector<16xf32>
      %select_n3A_727 = arith.select %gt3A_726, %get3A_725, %scan3A_556 : vector<16xi1>, vector<16xf32>
      %select_n3A_728 = arith.select %gt3A_726, %add3A_577, %scan3A_572 : vector<16xi1>, vector<16xi32>
      %add3A_729 = arith.constant 112 : i32
      %add3A_730 = arith.addi %mul3A_579, %add3A_729 : i32
      %get3A_731 = arith.constant 1 : i32
      %get3A_732 = arith.index_cast %get3A_731 : i32 to index
      %get3A_733 = arith.index_cast %add3A_730 : i32 to index
      %get3A_734 = tpu.vector_load %arg5[%get3A_732, %get3A_733] {strides = array<i32>} : memref<2x12288xf32, #tpu.memory_space<vmem>>, vector<1x16xf32>,
      %get3A_735 = vector.shape_cast %get3A_734 : vector<1x16xf32> to vector<16xf32>
      %gt3A_736 = arith.cmpf ogt, %get3A_735, %scan3A_557 : vector<16xf32>
      %select_n3A_737 = arith.select %gt3A_736, %get3A_735, %scan3A_557 : vector<16xi1>, vector<16xf32>
      %select_n3A_738 = arith.select %gt3A_736, %add3A_577, %scan3A_573 : vector<16xi1>, vector<16xi32>
      scf.yield %select_n3A_587, %select_n3A_597, %select_n3A_607, %select_n3A_617, %select_n3A_627, %select_n3A_637, %select_n3A_647, %select_n3A_657, %select_n3A_667, %select_n3A_677, %select_n3A_687, %select_n3A_697, %select_n3A_707, %select_n3A_717, %select_n3A_727, %select_n3A_737, %select_n3A_588, %select_n3A_598, %select_n3A_608, %select_n3A_618, %select_n3A_628, %select_n3A_638, %select_n3A_648, %select_n3A_658, %select_n3A_668, %select_n3A_678, %select_n3A_688, %select_n3A_698, %select_n3A_708, %select_n3A_718, %select_n3A_728, %select_n3A_738 : vector<16xf32>, vector<16xf32>, vector<16xf32>, vector<16xf32>, vector<16xf32>, vector<16xf32>, vector<16xf32>, vector<16xf32>, vector<16xf32>, vector<16xf32>, vector<16xf32>, vector<16xf32>, vector<16xf32>, vector<16xf32>, vector<16xf32>, vector<16xf32>, vector<16xi32>, vector<16xi32>, vector<16xi32>, vector<16xi32>, vector<16xi32>, vector<16xi32>, vector<16xi32>, vector<16xi32>, vector<16xi32>, vector<16xi32>, vector<16xi32>, vector<16xi32>, vector<16xi32>, vector<16xi32>, vector<16xi32>, vector<16xi32>
    }
    %scan3A_136 = arith.constant 48 : i32
    %dma_wait3A_137 = arith.constant 0 : i32
    %dma_wait3A_138 = arith.constant 6144 : i32
    %dma_wait3A_139 = tpu.memref_slice %arg5[%dma_wait3A_137, %dma_wait3A_138] : memref<2x12288xf32, #tpu.memory_space<vmem>> -> memref<1x6144xf32, #tpu.memory_space<vmem>>
    %dma_wait3A_140 = arith.constant 6144 : i32
    %dma_wait3A_141 = tpu.memref_slice %arg2[%add3A_15, %dma_wait3A_140] : memref<64x32768xf32, #tpu.memory_space<hbm>> -> memref<1x6144xf32, #tpu.memory_space<hbm>>
    %dma_wait3A_142 = arith.constant 0 : i32
    %dma_wait3A_143 = arith.constant 6144 : i32
    %dma_wait3A_144 = tpu.memref_slice %arg5[%dma_wait3A_142, %dma_wait3A_143] : memref<2x12288xf32, #tpu.memory_space<vmem>> -> memref<1x6144xf32, #tpu.memory_space<vmem>>
    %dma_wait3A_145 = arith.constant 6144 : i32
    %dma_wait3A_146 = tpu.memref_slice %arg2[%add3A_15, %dma_wait3A_145] : memref<64x32768xf32, #tpu.memory_space<hbm>> -> memref<1x6144xf32, #tpu.memory_space<hbm>>
    tpu.wait_dma2 semaphore(%arg9 : memref<!tpu.dma_semaphore, #tpu.memory_space<semaphore_mem>>) src(%dma_wait3A_146 : memref<1x6144xf32, #tpu.memory_space<hbm>>) dst(%dma_wait3A_144 : memref<1x6144xf32, #tpu.memory_space<vmem>>)
    %dma_wait3A_147 = arith.constant 1 : i32
    %dma_wait3A_148 = arith.constant 6144 : i32
    %dma_wait3A_149 = tpu.memref_slice %arg5[%dma_wait3A_147, %dma_wait3A_148] : memref<2x12288xf32, #tpu.memory_space<vmem>> -> memref<1x6144xf32, #tpu.memory_space<vmem>>
    %dma_wait3A_150 = arith.constant 6144 : i32
    %dma_wait3A_151 = tpu.memref_slice %arg2[%add3A_39, %dma_wait3A_150] : memref<64x32768xf32, #tpu.memory_space<hbm>> -> memref<1x6144xf32, #tpu.memory_space<hbm>>
    %dma_wait3A_152 = arith.constant 1 : i32
    %dma_wait3A_153 = arith.constant 6144 : i32
    %dma_wait3A_154 = tpu.memref_slice %arg5[%dma_wait3A_152, %dma_wait3A_153] : memref<2x12288xf32, #tpu.memory_space<vmem>> -> memref<1x6144xf32, #tpu.memory_space<vmem>>
    %dma_wait3A_155 = arith.constant 6144 : i32
    %dma_wait3A_156 = tpu.memref_slice %arg2[%add3A_39, %dma_wait3A_155] : memref<64x32768xf32, #tpu.memory_space<hbm>> -> memref<1x6144xf32, #tpu.memory_space<hbm>>
    tpu.wait_dma2 semaphore(%arg11 : memref<!tpu.dma_semaphore, #tpu.memory_space<semaphore_mem>>) src(%dma_wait3A_156 : memref<1x6144xf32, #tpu.memory_space<hbm>>) dst(%dma_wait3A_154 : memref<1x6144xf32, #tpu.memory_space<vmem>>)
    %scan3A_157 = arith.constant 48 : i32
    %scan3A_158 = arith.constant 48 : i32
    %scan3A_159 = arith.addi %scan3A_157, %scan3A_158 : i32
    %scan3A_160 = arith.constant 1 : i32
    %scan3A_161:32 = scf.for %scan3A_541 = %scan3A_157 to %scan3A_159 step %scan3A_160 iter_args(%scan3A_542 = %scan3A_135#0, %scan3A_543 = %scan3A_135#1, %scan3A_544 = %scan3A_135#2, %scan3A_545 = %scan3A_135#3, %scan3A_546 = %scan3A_135#4, %scan3A_547 = %scan3A_135#5, %scan3A_548 = %scan3A_135#6, %scan3A_549 = %scan3A_135#7, %scan3A_550 = %scan3A_135#8, %scan3A_551 = %scan3A_135#9, %scan3A_552 = %scan3A_135#10, %scan3A_553 = %scan3A_135#11, %scan3A_554 = %scan3A_135#12, %scan3A_555 = %scan3A_135#13, %scan3A_556 = %scan3A_135#14, %scan3A_557 = %scan3A_135#15, %scan3A_558 = %scan3A_135#16, %scan3A_559 = %scan3A_135#17, %scan3A_560 = %scan3A_135#18, %scan3A_561 = %scan3A_135#19, %scan3A_562 = %scan3A_135#20, %scan3A_563 = %scan3A_135#21, %scan3A_564 = %scan3A_135#22, %scan3A_565 = %scan3A_135#23, %scan3A_566 = %scan3A_135#24, %scan3A_567 = %scan3A_135#25, %scan3A_568 = %scan3A_135#26, %scan3A_569 = %scan3A_135#27, %scan3A_570 = %scan3A_135#28, %scan3A_571 = %scan3A_135#29, %scan3A_572 = %scan3A_135#30, %scan3A_573 = %scan3A_135#31) -> (vector<16xf32>, vector<16xf32>, vector<16xf32>, vector<16xf32>, vector<16xf32>, vector<16xf32>, vector<16xf32>, vector<16xf32>, vector<16xf32>, vector<16xf32>, vector<16xf32>, vector<16xf32>, vector<16xf32>, vector<16xf32>, vector<16xf32>, vector<16xf32>, vector<16xi32>, vector<16xi32>, vector<16xi32>, vector<16xi32>, vector<16xi32>, vector<16xi32>, vector<16xi32>, vector<16xi32>, vector<16xi32>, vector<16xi32>, vector<16xi32>, vector<16xi32>, vector<16xi32>, vector<16xi32>, vector<16xi32>, vector<16xi32>)  : i32 {
      %broadcast_in_dim3A_574 = arith.constant 0 : i32
      %broadcast_in_dim3A_575 = vector.broadcast %broadcast_in_dim3A_574 : i32 to vector<16xi32>
      %add3A_576 = vector.broadcast %scan3A_541 : i32 to vector<16xi32>
      %add3A_577 = arith.addi %broadcast_in_dim3A_575, %add3A_576 : vector<16xi32>
      %mul3A_578 = arith.constant 128 : i32
      %mul3A_579 = arith.muli %scan3A_541, %mul3A_578 : i32
      %add3A_580 = arith.constant 0 : i32
      %add3A_581 = arith.addi %mul3A_579, %add3A_580 : i32
      %get3A = arith.constant 0 : i32
      %get3A_582 = arith.index_cast %get3A : i32 to index
      %get3A_583 = arith.index_cast %add3A_581 : i32 to index
      %get3A_584 = tpu.vector_load %arg5[%get3A_582, %get3A_583] {strides = array<i32>} : memref<2x12288xf32, #tpu.memory_space<vmem>>, vector<1x16xf32>,
      %get3A_585 = vector.shape_cast %get3A_584 : vector<1x16xf32> to vector<16xf32>
      %gt3A_586 = arith.cmpf ogt, %get3A_585, %scan3A_542 : vector<16xf32>
      %select_n3A_587 = arith.select %gt3A_586, %get3A_585, %scan3A_542 : vector<16xi1>, vector<16xf32>
      %select_n3A_588 = arith.select %gt3A_586, %add3A_577, %scan3A_558 : vector<16xi1>, vector<16xi32>
      %add3A_589 = arith.constant 16 : i32
      %add3A_590 = arith.addi %mul3A_579, %add3A_589 : i32
      %get3A_591 = arith.constant 0 : i32
      %get3A_592 = arith.index_cast %get3A_591 : i32 to index
      %get3A_593 = arith.index_cast %add3A_590 : i32 to index
      %get3A_594 = tpu.vector_load %arg5[%get3A_592, %get3A_593] {strides = array<i32>} : memref<2x12288xf32, #tpu.memory_space<vmem>>, vector<1x16xf32>,
      %get3A_595 = vector.shape_cast %get3A_594 : vector<1x16xf32> to vector<16xf32>
      %gt3A_596 = arith.cmpf ogt, %get3A_595, %scan3A_543 : vector<16xf32>
      %select_n3A_597 = arith.select %gt3A_596, %get3A_595, %scan3A_543 : vector<16xi1>, vector<16xf32>
      %select_n3A_598 = arith.select %gt3A_596, %add3A_577, %scan3A_559 : vector<16xi1>, vector<16xi32>
      %add3A_599 = arith.constant 32 : i32
      %add3A_600 = arith.addi %mul3A_579, %add3A_599 : i32
      %get3A_601 = arith.constant 0 : i32
      %get3A_602 = arith.index_cast %get3A_601 : i32 to index
      %get3A_603 = arith.index_cast %add3A_600 : i32 to index
      %get3A_604 = tpu.vector_load %arg5[%get3A_602, %get3A_603] {strides = array<i32>} : memref<2x12288xf32, #tpu.memory_space<vmem>>, vector<1x16xf32>,
      %get3A_605 = vector.shape_cast %get3A_604 : vector<1x16xf32> to vector<16xf32>
      %gt3A_606 = arith.cmpf ogt, %get3A_605, %scan3A_544 : vector<16xf32>
      %select_n3A_607 = arith.select %gt3A_606, %get3A_605, %scan3A_544 : vector<16xi1>, vector<16xf32>
      %select_n3A_608 = arith.select %gt3A_606, %add3A_577, %scan3A_560 : vector<16xi1>, vector<16xi32>
      %add3A_609 = arith.constant 48 : i32
      %add3A_610 = arith.addi %mul3A_579, %add3A_609 : i32
      %get3A_611 = arith.constant 0 : i32
      %get3A_612 = arith.index_cast %get3A_611 : i32 to index
      %get3A_613 = arith.index_cast %add3A_610 : i32 to index
      %get3A_614 = tpu.vector_load %arg5[%get3A_612, %get3A_613] {strides = array<i32>} : memref<2x12288xf32, #tpu.memory_space<vmem>>, vector<1x16xf32>,
      %get3A_615 = vector.shape_cast %get3A_614 : vector<1x16xf32> to vector<16xf32>
      %gt3A_616 = arith.cmpf ogt, %get3A_615, %scan3A_545 : vector<16xf32>
      %select_n3A_617 = arith.select %gt3A_616, %get3A_615, %scan3A_545 : vector<16xi1>, vector<16xf32>
      %select_n3A_618 = arith.select %gt3A_616, %add3A_577, %scan3A_561 : vector<16xi1>, vector<16xi32>
      %add3A_619 = arith.constant 64 : i32
      %add3A_620 = arith.addi %mul3A_579, %add3A_619 : i32
      %get3A_621 = arith.constant 0 : i32
      %get3A_622 = arith.index_cast %get3A_621 : i32 to index
      %get3A_623 = arith.index_cast %add3A_620 : i32 to index
      %get3A_624 = tpu.vector_load %arg5[%get3A_622, %get3A_623] {strides = array<i32>} : memref<2x12288xf32, #tpu.memory_space<vmem>>, vector<1x16xf32>,
      %get3A_625 = vector.shape_cast %get3A_624 : vector<1x16xf32> to vector<16xf32>
      %gt3A_626 = arith.cmpf ogt, %get3A_625, %scan3A_546 : vector<16xf32>
      %select_n3A_627 = arith.select %gt3A_626, %get3A_625, %scan3A_546 : vector<16xi1>, vector<16xf32>
      %select_n3A_628 = arith.select %gt3A_626, %add3A_577, %scan3A_562 : vector<16xi1>, vector<16xi32>
      %add3A_629 = arith.constant 80 : i32
      %add3A_630 = arith.addi %mul3A_579, %add3A_629 : i32
      %get3A_631 = arith.constant 0 : i32
      %get3A_632 = arith.index_cast %get3A_631 : i32 to index
      %get3A_633 = arith.index_cast %add3A_630 : i32 to index
      %get3A_634 = tpu.vector_load %arg5[%get3A_632, %get3A_633] {strides = array<i32>} : memref<2x12288xf32, #tpu.memory_space<vmem>>, vector<1x16xf32>,
      %get3A_635 = vector.shape_cast %get3A_634 : vector<1x16xf32> to vector<16xf32>
      %gt3A_636 = arith.cmpf ogt, %get3A_635, %scan3A_547 : vector<16xf32>
      %select_n3A_637 = arith.select %gt3A_636, %get3A_635, %scan3A_547 : vector<16xi1>, vector<16xf32>
      %select_n3A_638 = arith.select %gt3A_636, %add3A_577, %scan3A_563 : vector<16xi1>, vector<16xi32>
      %add3A_639 = arith.constant 96 : i32
      %add3A_640 = arith.addi %mul3A_579, %add3A_639 : i32
      %get3A_641 = arith.constant 0 : i32
      %get3A_642 = arith.index_cast %get3A_641 : i32 to index
      %get3A_643 = arith.index_cast %add3A_640 : i32 to index
      %get3A_644 = tpu.vector_load %arg5[%get3A_642, %get3A_643] {strides = array<i32>} : memref<2x12288xf32, #tpu.memory_space<vmem>>, vector<1x16xf32>,
      %get3A_645 = vector.shape_cast %get3A_644 : vector<1x16xf32> to vector<16xf32>
      %gt3A_646 = arith.cmpf ogt, %get3A_645, %scan3A_548 : vector<16xf32>
      %select_n3A_647 = arith.select %gt3A_646, %get3A_645, %scan3A_548 : vector<16xi1>, vector<16xf32>
      %select_n3A_648 = arith.select %gt3A_646, %add3A_577, %scan3A_564 : vector<16xi1>, vector<16xi32>
      %add3A_649 = arith.constant 112 : i32
      %add3A_650 = arith.addi %mul3A_579, %add3A_649 : i32
      %get3A_651 = arith.constant 0 : i32
      %get3A_652 = arith.index_cast %get3A_651 : i32 to index
      %get3A_653 = arith.index_cast %add3A_650 : i32 to index
      %get3A_654 = tpu.vector_load %arg5[%get3A_652, %get3A_653] {strides = array<i32>} : memref<2x12288xf32, #tpu.memory_space<vmem>>, vector<1x16xf32>,
      %get3A_655 = vector.shape_cast %get3A_654 : vector<1x16xf32> to vector<16xf32>
      %gt3A_656 = arith.cmpf ogt, %get3A_655, %scan3A_549 : vector<16xf32>
      %select_n3A_657 = arith.select %gt3A_656, %get3A_655, %scan3A_549 : vector<16xi1>, vector<16xf32>
      %select_n3A_658 = arith.select %gt3A_656, %add3A_577, %scan3A_565 : vector<16xi1>, vector<16xi32>
      %add3A_659 = arith.constant 0 : i32
      %add3A_660 = arith.addi %mul3A_579, %add3A_659 : i32
      %get3A_661 = arith.constant 1 : i32
      %get3A_662 = arith.index_cast %get3A_661 : i32 to index
      %get3A_663 = arith.index_cast %add3A_660 : i32 to index
      %get3A_664 = tpu.vector_load %arg5[%get3A_662, %get3A_663] {strides = array<i32>} : memref<2x12288xf32, #tpu.memory_space<vmem>>, vector<1x16xf32>,
      %get3A_665 = vector.shape_cast %get3A_664 : vector<1x16xf32> to vector<16xf32>
      %gt3A_666 = arith.cmpf ogt, %get3A_665, %scan3A_550 : vector<16xf32>
      %select_n3A_667 = arith.select %gt3A_666, %get3A_665, %scan3A_550 : vector<16xi1>, vector<16xf32>
      %select_n3A_668 = arith.select %gt3A_666, %add3A_577, %scan3A_566 : vector<16xi1>, vector<16xi32>
      %add3A_669 = arith.constant 16 : i32
      %add3A_670 = arith.addi %mul3A_579, %add3A_669 : i32
      %get3A_671 = arith.constant 1 : i32
      %get3A_672 = arith.index_cast %get3A_671 : i32 to index
      %get3A_673 = arith.index_cast %add3A_670 : i32 to index
      %get3A_674 = tpu.vector_load %arg5[%get3A_672, %get3A_673] {strides = array<i32>} : memref<2x12288xf32, #tpu.memory_space<vmem>>, vector<1x16xf32>,
      %get3A_675 = vector.shape_cast %get3A_674 : vector<1x16xf32> to vector<16xf32>
      %gt3A_676 = arith.cmpf ogt, %get3A_675, %scan3A_551 : vector<16xf32>
      %select_n3A_677 = arith.select %gt3A_676, %get3A_675, %scan3A_551 : vector<16xi1>, vector<16xf32>
      %select_n3A_678 = arith.select %gt3A_676, %add3A_577, %scan3A_567 : vector<16xi1>, vector<16xi32>
      %add3A_679 = arith.constant 32 : i32
      %add3A_680 = arith.addi %mul3A_579, %add3A_679 : i32
      %get3A_681 = arith.constant 1 : i32
      %get3A_682 = arith.index_cast %get3A_681 : i32 to index
      %get3A_683 = arith.index_cast %add3A_680 : i32 to index
      %get3A_684 = tpu.vector_load %arg5[%get3A_682, %get3A_683] {strides = array<i32>} : memref<2x12288xf32, #tpu.memory_space<vmem>>, vector<1x16xf32>,
      %get3A_685 = vector.shape_cast %get3A_684 : vector<1x16xf32> to vector<16xf32>
      %gt3A_686 = arith.cmpf ogt, %get3A_685, %scan3A_552 : vector<16xf32>
      %select_n3A_687 = arith.select %gt3A_686, %get3A_685, %scan3A_552 : vector<16xi1>, vector<16xf32>
      %select_n3A_688 = arith.select %gt3A_686, %add3A_577, %scan3A_568 : vector<16xi1>, vector<16xi32>
      %add3A_689 = arith.constant 48 : i32
      %add3A_690 = arith.addi %mul3A_579, %add3A_689 : i32
      %get3A_691 = arith.constant 1 : i32
      %get3A_692 = arith.index_cast %get3A_691 : i32 to index
      %get3A_693 = arith.index_cast %add3A_690 : i32 to index
      %get3A_694 = tpu.vector_load %arg5[%get3A_692, %get3A_693] {strides = array<i32>} : memref<2x12288xf32, #tpu.memory_space<vmem>>, vector<1x16xf32>,
      %get3A_695 = vector.shape_cast %get3A_694 : vector<1x16xf32> to vector<16xf32>
      %gt3A_696 = arith.cmpf ogt, %get3A_695, %scan3A_553 : vector<16xf32>
      %select_n3A_697 = arith.select %gt3A_696, %get3A_695, %scan3A_553 : vector<16xi1>, vector<16xf32>
      %select_n3A_698 = arith.select %gt3A_696, %add3A_577, %scan3A_569 : vector<16xi1>, vector<16xi32>
      %add3A_699 = arith.constant 64 : i32
      %add3A_700 = arith.addi %mul3A_579, %add3A_699 : i32
      %get3A_701 = arith.constant 1 : i32
      %get3A_702 = arith.index_cast %get3A_701 : i32 to index
      %get3A_703 = arith.index_cast %add3A_700 : i32 to index
      %get3A_704 = tpu.vector_load %arg5[%get3A_702, %get3A_703] {strides = array<i32>} : memref<2x12288xf32, #tpu.memory_space<vmem>>, vector<1x16xf32>,
      %get3A_705 = vector.shape_cast %get3A_704 : vector<1x16xf32> to vector<16xf32>
      %gt3A_706 = arith.cmpf ogt, %get3A_705, %scan3A_554 : vector<16xf32>
      %select_n3A_707 = arith.select %gt3A_706, %get3A_705, %scan3A_554 : vector<16xi1>, vector<16xf32>
      %select_n3A_708 = arith.select %gt3A_706, %add3A_577, %scan3A_570 : vector<16xi1>, vector<16xi32>
      %add3A_709 = arith.constant 80 : i32
      %add3A_710 = arith.addi %mul3A_579, %add3A_709 : i32
      %get3A_711 = arith.constant 1 : i32
      %get3A_712 = arith.index_cast %get3A_711 : i32 to index
      %get3A_713 = arith.index_cast %add3A_710 : i32 to index
      %get3A_714 = tpu.vector_load %arg5[%get3A_712, %get3A_713] {strides = array<i32>} : memref<2x12288xf32, #tpu.memory_space<vmem>>, vector<1x16xf32>,
      %get3A_715 = vector.shape_cast %get3A_714 : vector<1x16xf32> to vector<16xf32>
      %gt3A_716 = arith.cmpf ogt, %get3A_715, %scan3A_555 : vector<16xf32>
      %select_n3A_717 = arith.select %gt3A_716, %get3A_715, %scan3A_555 : vector<16xi1>, vector<16xf32>
      %select_n3A_718 = arith.select %gt3A_716, %add3A_577, %scan3A_571 : vector<16xi1>, vector<16xi32>
      %add3A_719 = arith.constant 96 : i32
      %add3A_720 = arith.addi %mul3A_579, %add3A_719 : i32
      %get3A_721 = arith.constant 1 : i32
      %get3A_722 = arith.index_cast %get3A_721 : i32 to index
      %get3A_723 = arith.index_cast %add3A_720 : i32 to index
      %get3A_724 = tpu.vector_load %arg5[%get3A_722, %get3A_723] {strides = array<i32>} : memref<2x12288xf32, #tpu.memory_space<vmem>>, vector<1x16xf32>,
      %get3A_725 = vector.shape_cast %get3A_724 : vector<1x16xf32> to vector<16xf32>
      %gt3A_726 = arith.cmpf ogt, %get3A_725, %scan3A_556 : vector<16xf32>
      %select_n3A_727 = arith.select %gt3A_726, %get3A_725, %scan3A_556 : vector<16xi1>, vector<16xf32>
      %select_n3A_728 = arith.select %gt3A_726, %add3A_577, %scan3A_572 : vector<16xi1>, vector<16xi32>
      %add3A_729 = arith.constant 112 : i32
      %add3A_730 = arith.addi %mul3A_579, %add3A_729 : i32
      %get3A_731 = arith.constant 1 : i32
      %get3A_732 = arith.index_cast %get3A_731 : i32 to index
      %get3A_733 = arith.index_cast %add3A_730 : i32 to index
      %get3A_734 = tpu.vector_load %arg5[%get3A_732, %get3A_733] {strides = array<i32>} : memref<2x12288xf32, #tpu.memory_space<vmem>>, vector<1x16xf32>,
      %get3A_735 = vector.shape_cast %get3A_734 : vector<1x16xf32> to vector<16xf32>
      %gt3A_736 = arith.cmpf ogt, %get3A_735, %scan3A_557 : vector<16xf32>
      %select_n3A_737 = arith.select %gt3A_736, %get3A_735, %scan3A_557 : vector<16xi1>, vector<16xf32>
      %select_n3A_738 = arith.select %gt3A_736, %add3A_577, %scan3A_573 : vector<16xi1>, vector<16xi32>
      scf.yield %select_n3A_587, %select_n3A_597, %select_n3A_607, %select_n3A_617, %select_n3A_627, %select_n3A_637, %select_n3A_647, %select_n3A_657, %select_n3A_667, %select_n3A_677, %select_n3A_687, %select_n3A_697, %select_n3A_707, %select_n3A_717, %select_n3A_727, %select_n3A_737, %select_n3A_588, %select_n3A_598, %select_n3A_608, %select_n3A_618, %select_n3A_628, %select_n3A_638, %select_n3A_648, %select_n3A_658, %select_n3A_668, %select_n3A_678, %select_n3A_688, %select_n3A_698, %select_n3A_708, %select_n3A_718, %select_n3A_728, %select_n3A_738 : vector<16xf32>, vector<16xf32>, vector<16xf32>, vector<16xf32>, vector<16xf32>, vector<16xf32>, vector<16xf32>, vector<16xf32>, vector<16xf32>, vector<16xf32>, vector<16xf32>, vector<16xf32>, vector<16xf32>, vector<16xf32>, vector<16xf32>, vector<16xf32>, vector<16xi32>, vector<16xi32>, vector<16xi32>, vector<16xi32>, vector<16xi32>, vector<16xi32>, vector<16xi32>, vector<16xi32>, vector<16xi32>, vector<16xi32>, vector<16xi32>, vector<16xi32>, vector<16xi32>, vector<16xi32>, vector<16xi32>, vector<16xi32>
    }
    %scan3A_162 = arith.constant 48 : i32
    %mul3A_163 = arith.constant 128 : i32
    %mul3A_164 = vector.broadcast %mul3A_163 : i32 to vector<16xi32>
    %mul3A_165 = arith.muli %scan3A_161#16, %mul3A_164 : vector<16xi32>
    %add3A_166 = arith.constant 0 : i32
    %add3A_167 = vector.broadcast %add3A_166 : i32 to vector<16xi32>
    %add3A_168 = arith.addi %add3A_167, %iota3A : vector<16xi32>
    %add3A_169 = arith.addi %mul3A_165, %add3A_168 : vector<16xi32>
    %mul3A_170 = arith.constant 128 : i32
    %mul3A_171 = vector.broadcast %mul3A_170 : i32 to vector<16xi32>
    %mul3A_172 = arith.muli %scan3A_161#17, %mul3A_171 : vector<16xi32>
    %add3A_173 = arith.constant 16 : i32
    %add3A_174 = vector.broadcast %add3A_173 : i32 to vector<16xi32>
    %add3A_175 = arith.addi %add3A_174, %iota3A : vector<16xi32>
    %add3A_176 = arith.addi %mul3A_172, %add3A_175 : vector<16xi32>
    %mul3A_177 = arith.constant 128 : i32
    %mul3A_178 = vector.broadcast %mul3A_177 : i32 to vector<16xi32>
    %mul3A_179 = arith.muli %scan3A_161#18, %mul3A_178 : vector<16xi32>
    %add3A_180 = arith.constant 32 : i32
    %add3A_181 = vector.broadcast %add3A_180 : i32 to vector<16xi32>
    %add3A_182 = arith.addi %add3A_181, %iota3A : vector<16xi32>
    %add3A_183 = arith.addi %mul3A_179, %add3A_182 : vector<16xi32>
    %mul3A_184 = arith.constant 128 : i32
    %mul3A_185 = vector.broadcast %mul3A_184 : i32 to vector<16xi32>
    %mul3A_186 = arith.muli %scan3A_161#19, %mul3A_185 : vector<16xi32>
    %add3A_187 = arith.constant 48 : i32
    %add3A_188 = vector.broadcast %add3A_187 : i32 to vector<16xi32>
    %add3A_189 = arith.addi %add3A_188, %iota3A : vector<16xi32>
    %add3A_190 = arith.addi %mul3A_186, %add3A_189 : vector<16xi32>
    %mul3A_191 = arith.constant 128 : i32
    %mul3A_192 = vector.broadcast %mul3A_191 : i32 to vector<16xi32>
    %mul3A_193 = arith.muli %scan3A_161#20, %mul3A_192 : vector<16xi32>
    %add3A_194 = arith.constant 64 : i32
    %add3A_195 = vector.broadcast %add3A_194 : i32 to vector<16xi32>
    %add3A_196 = arith.addi %add3A_195, %iota3A : vector<16xi32>
    %add3A_197 = arith.addi %mul3A_193, %add3A_196 : vector<16xi32>
    %mul3A_198 = arith.constant 128 : i32
    %mul3A_199 = vector.broadcast %mul3A_198 : i32 to vector<16xi32>
    %mul3A_200 = arith.muli %scan3A_161#21, %mul3A_199 : vector<16xi32>
    %add3A_201 = arith.constant 80 : i32
    %add3A_202 = vector.broadcast %add3A_201 : i32 to vector<16xi32>
    %add3A_203 = arith.addi %add3A_202, %iota3A : vector<16xi32>
    %add3A_204 = arith.addi %mul3A_200, %add3A_203 : vector<16xi32>
    %mul3A_205 = arith.constant 128 : i32
    %mul3A_206 = vector.broadcast %mul3A_205 : i32 to vector<16xi32>
    %mul3A_207 = arith.muli %scan3A_161#22, %mul3A_206 : vector<16xi32>
    %add3A_208 = arith.constant 96 : i32
    %add3A_209 = vector.broadcast %add3A_208 : i32 to vector<16xi32>
    %add3A_210 = arith.addi %add3A_209, %iota3A : vector<16xi32>
    %add3A_211 = arith.addi %mul3A_207, %add3A_210 : vector<16xi32>
    %mul3A_212 = arith.constant 128 : i32
    %mul3A_213 = vector.broadcast %mul3A_212 : i32 to vector<16xi32>
    %mul3A_214 = arith.muli %scan3A_161#23, %mul3A_213 : vector<16xi32>
    %add3A_215 = arith.constant 112 : i32
    %add3A_216 = vector.broadcast %add3A_215 : i32 to vector<16xi32>
    %add3A_217 = arith.addi %add3A_216, %iota3A : vector<16xi32>
    %add3A_218 = arith.addi %mul3A_214, %add3A_217 : vector<16xi32>
    %gt3A = arith.cmpf ogt, %scan3A_161#1, %scan3A_161#0 : vector<16xf32>
    %eq3A = arith.cmpf oeq, %scan3A_161#1, %scan3A_161#0 : vector<16xf32>
    %lt3A = arith.cmpi slt, %add3A_176, %add3A_169 : vector<16xi32>
    %and3A = arith.andi %eq3A, %lt3A : vector<16xi1>
    %or3A = arith.ori %gt3A, %and3A : vector<16xi1>
    %select_n3A = arith.select %or3A, %scan3A_161#1, %scan3A_161#0 : vector<16xi1>, vector<16xf32>
    %select_n3A_219 = arith.select %or3A, %add3A_176, %add3A_169 : vector<16xi1>, vector<16xi32>
    %gt3A_220 = arith.cmpf ogt, %scan3A_161#3, %scan3A_161#2 : vector<16xf32>
    %eq3A_221 = arith.cmpf oeq, %scan3A_161#3, %scan3A_161#2 : vector<16xf32>
    %lt3A_222 = arith.cmpi slt, %add3A_190, %add3A_183 : vector<16xi32>
    %and3A_223 = arith.andi %eq3A_221, %lt3A_222 : vector<16xi1>
    %or3A_224 = arith.ori %gt3A_220, %and3A_223 : vector<16xi1>
    %select_n3A_225 = arith.select %or3A_224, %scan3A_161#3, %scan3A_161#2 : vector<16xi1>, vector<16xf32>
    %select_n3A_226 = arith.select %or3A_224, %add3A_190, %add3A_183 : vector<16xi1>, vector<16xi32>
    %gt3A_227 = arith.cmpf ogt, %scan3A_161#5, %scan3A_161#4 : vector<16xf32>
    %eq3A_228 = arith.cmpf oeq, %scan3A_161#5, %scan3A_161#4 : vector<16xf32>
    %lt3A_229 = arith.cmpi slt, %add3A_204, %add3A_197 : vector<16xi32>
    %and3A_230 = arith.andi %eq3A_228, %lt3A_229 : vector<16xi1>
    %or3A_231 = arith.ori %gt3A_227, %and3A_230 : vector<16xi1>
    %select_n3A_232 = arith.select %or3A_231, %scan3A_161#5, %scan3A_161#4 : vector<16xi1>, vector<16xf32>
    %select_n3A_233 = arith.select %or3A_231, %add3A_204, %add3A_197 : vector<16xi1>, vector<16xi32>
    %gt3A_234 = arith.cmpf ogt, %scan3A_161#7, %scan3A_161#6 : vector<16xf32>
    %eq3A_235 = arith.cmpf oeq, %scan3A_161#7, %scan3A_161#6 : vector<16xf32>
    %lt3A_236 = arith.cmpi slt, %add3A_218, %add3A_211 : vector<16xi32>
    %and3A_237 = arith.andi %eq3A_235, %lt3A_236 : vector<16xi1>
    %or3A_238 = arith.ori %gt3A_234, %and3A_237 : vector<16xi1>
    %select_n3A_239 = arith.select %or3A_238, %scan3A_161#7, %scan3A_161#6 : vector<16xi1>, vector<16xf32>
    %select_n3A_240 = arith.select %or3A_238, %add3A_218, %add3A_211 : vector<16xi1>, vector<16xi32>
    %gt3A_241 = arith.cmpf ogt, %select_n3A_225, %select_n3A : vector<16xf32>
    %eq3A_242 = arith.cmpf oeq, %select_n3A_225, %select_n3A : vector<16xf32>
    %lt3A_243 = arith.cmpi slt, %select_n3A_226, %select_n3A_219 : vector<16xi32>
    %and3A_244 = arith.andi %eq3A_242, %lt3A_243 : vector<16xi1>
    %or3A_245 = arith.ori %gt3A_241, %and3A_244 : vector<16xi1>
    %select_n3A_246 = arith.select %or3A_245, %select_n3A_225, %select_n3A : vector<16xi1>, vector<16xf32>
    %select_n3A_247 = arith.select %or3A_245, %select_n3A_226, %select_n3A_219 : vector<16xi1>, vector<16xi32>
    %gt3A_248 = arith.cmpf ogt, %select_n3A_239, %select_n3A_232 : vector<16xf32>
    %eq3A_249 = arith.cmpf oeq, %select_n3A_239, %select_n3A_232 : vector<16xf32>
    %lt3A_250 = arith.cmpi slt, %select_n3A_240, %select_n3A_233 : vector<16xi32>
    %and3A_251 = arith.andi %eq3A_249, %lt3A_250 : vector<16xi1>
    %or3A_252 = arith.ori %gt3A_248, %and3A_251 : vector<16xi1>
    %select_n3A_253 = arith.select %or3A_252, %select_n3A_239, %select_n3A_232 : vector<16xi1>, vector<16xf32>
    %select_n3A_254 = arith.select %or3A_252, %select_n3A_240, %select_n3A_233 : vector<16xi1>, vector<16xi32>
    %gt3A_255 = arith.cmpf ogt, %select_n3A_253, %select_n3A_246 : vector<16xf32>
    %eq3A_256 = arith.cmpf oeq, %select_n3A_253, %select_n3A_246 : vector<16xf32>
    %lt3A_257 = arith.cmpi slt, %select_n3A_254, %select_n3A_247 : vector<16xi32>
    %and3A_258 = arith.andi %eq3A_256, %lt3A_257 : vector<16xi1>
    %or3A_259 = arith.ori %gt3A_255, %and3A_258 : vector<16xi1>
    %select_n3A_260 = arith.select %or3A_259, %select_n3A_253, %select_n3A_246 : vector<16xi1>, vector<16xf32>
    %select_n3A_261 = arith.select %or3A_259, %select_n3A_254, %select_n3A_247 : vector<16xi1>, vector<16xi32>
    %add3A_262 = arith.constant 8 : i32
    %add3A_263 = vector.broadcast %add3A_262 : i32 to vector<16xi32>
    %add3A_264 = arith.addi %iota3A, %add3A_263 : vector<16xi32>
    %and3A_265 = arith.constant 15 : i32
    %and3A_266 = vector.broadcast %and3A_265 : i32 to vector<16xi32>
    %and3A_267 = arith.andi %add3A_264, %and3A_266 : vector<16xi32>
    %broadcast_in_dim3A_268 = vector.shape_cast %and3A_267 : vector<16xi32> to vector<16x1xi32>
    %gather3A = vector.shape_cast %broadcast_in_dim3A_268 : vector<16x1xi32> to vector<16xi32>
    %gather3A_269 = tpu.dynamic_gather %select_n3A_260[%gather3A] in [0] : vector<16xf32>, vector<16xi32> -> vector<16xf32>
    %broadcast_in_dim3A_270 = vector.shape_cast %and3A_267 : vector<16xi32> to vector<16x1xi32>
    %gather3A_271 = vector.shape_cast %broadcast_in_dim3A_270 : vector<16x1xi32> to vector<16xi32>
    %gather3A_272 = tpu.dynamic_gather %select_n3A_261[%gather3A_271] in [0] : vector<16xi32>, vector<16xi32> -> vector<16xi32>
    %gt3A_273 = arith.cmpf ogt, %gather3A_269, %select_n3A_260 : vector<16xf32>
    %eq3A_274 = arith.cmpf oeq, %gather3A_269, %select_n3A_260 : vector<16xf32>
    %lt3A_275 = arith.cmpi slt, %gather3A_272, %select_n3A_261 : vector<16xi32>
    %and3A_276 = arith.andi %eq3A_274, %lt3A_275 : vector<16xi1>
    %or3A_277 = arith.ori %gt3A_273, %and3A_276 : vector<16xi1>
    %select_n3A_278 = arith.select %or3A_277, %gather3A_269, %select_n3A_260 : vector<16xi1>, vector<16xf32>
    %select_n3A_279 = arith.select %or3A_277, %gather3A_272, %select_n3A_261 : vector<16xi1>, vector<16xi32>
    %add3A_280 = arith.constant 4 : i32
    %add3A_281 = vector.broadcast %add3A_280 : i32 to vector<16xi32>
    %add3A_282 = arith.addi %iota3A, %add3A_281 : vector<16xi32>
    %and3A_283 = arith.constant 15 : i32
    %and3A_284 = vector.broadcast %and3A_283 : i32 to vector<16xi32>
    %and3A_285 = arith.andi %add3A_282, %and3A_284 : vector<16xi32>
    %broadcast_in_dim3A_286 = vector.shape_cast %and3A_285 : vector<16xi32> to vector<16x1xi32>
    %gather3A_287 = vector.shape_cast %broadcast_in_dim3A_286 : vector<16x1xi32> to vector<16xi32>
    %gather3A_288 = tpu.dynamic_gather %select_n3A_278[%gather3A_287] in [0] : vector<16xf32>, vector<16xi32> -> vector<16xf32>
    %broadcast_in_dim3A_289 = vector.shape_cast %and3A_285 : vector<16xi32> to vector<16x1xi32>
    %gather3A_290 = vector.shape_cast %broadcast_in_dim3A_289 : vector<16x1xi32> to vector<16xi32>
    %gather3A_291 = tpu.dynamic_gather %select_n3A_279[%gather3A_290] in [0] : vector<16xi32>, vector<16xi32> -> vector<16xi32>
    %gt3A_292 = arith.cmpf ogt, %gather3A_288, %select_n3A_278 : vector<16xf32>
    %eq3A_293 = arith.cmpf oeq, %gather3A_288, %select_n3A_278 : vector<16xf32>
    %lt3A_294 = arith.cmpi slt, %gather3A_291, %select_n3A_279 : vector<16xi32>
    %and3A_295 = arith.andi %eq3A_293, %lt3A_294 : vector<16xi1>
    %or3A_296 = arith.ori %gt3A_292, %and3A_295 : vector<16xi1>
    %select_n3A_297 = arith.select %or3A_296, %gather3A_288, %select_n3A_278 : vector<16xi1>, vector<16xf32>
    %select_n3A_298 = arith.select %or3A_296, %gather3A_291, %select_n3A_279 : vector<16xi1>, vector<16xi32>
    %add3A_299 = arith.constant 2 : i32
    %add3A_300 = vector.broadcast %add3A_299 : i32 to vector<16xi32>
    %add3A_301 = arith.addi %iota3A, %add3A_300 : vector<16xi32>
    %and3A_302 = arith.constant 15 : i32
    %and3A_303 = vector.broadcast %and3A_302 : i32 to vector<16xi32>
    %and3A_304 = arith.andi %add3A_301, %and3A_303 : vector<16xi32>
    %broadcast_in_dim3A_305 = vector.shape_cast %and3A_304 : vector<16xi32> to vector<16x1xi32>
    %gather3A_306 = vector.shape_cast %broadcast_in_dim3A_305 : vector<16x1xi32> to vector<16xi32>
    %gather3A_307 = tpu.dynamic_gather %select_n3A_297[%gather3A_306] in [0] : vector<16xf32>, vector<16xi32> -> vector<16xf32>
    %broadcast_in_dim3A_308 = vector.shape_cast %and3A_304 : vector<16xi32> to vector<16x1xi32>
    %gather3A_309 = vector.shape_cast %broadcast_in_dim3A_308 : vector<16x1xi32> to vector<16xi32>
    %gather3A_310 = tpu.dynamic_gather %select_n3A_298[%gather3A_309] in [0] : vector<16xi32>, vector<16xi32> -> vector<16xi32>
    %gt3A_311 = arith.cmpf ogt, %gather3A_307, %select_n3A_297 : vector<16xf32>
    %eq3A_312 = arith.cmpf oeq, %gather3A_307, %select_n3A_297 : vector<16xf32>
    %lt3A_313 = arith.cmpi slt, %gather3A_310, %select_n3A_298 : vector<16xi32>
    %and3A_314 = arith.andi %eq3A_312, %lt3A_313 : vector<16xi1>
    %or3A_315 = arith.ori %gt3A_311, %and3A_314 : vector<16xi1>
    %select_n3A_316 = arith.select %or3A_315, %gather3A_307, %select_n3A_297 : vector<16xi1>, vector<16xf32>
    %select_n3A_317 = arith.select %or3A_315, %gather3A_310, %select_n3A_298 : vector<16xi1>, vector<16xi32>
    %add3A_318 = arith.constant 1 : i32
    %add3A_319 = vector.broadcast %add3A_318 : i32 to vector<16xi32>
    %add3A_320 = arith.addi %iota3A, %add3A_319 : vector<16xi32>
    %and3A_321 = arith.constant 15 : i32
    %and3A_322 = vector.broadcast %and3A_321 : i32 to vector<16xi32>
    %and3A_323 = arith.andi %add3A_320, %and3A_322 : vector<16xi32>
    %broadcast_in_dim3A_324 = vector.shape_cast %and3A_323 : vector<16xi32> to vector<16x1xi32>
    %gather3A_325 = vector.shape_cast %broadcast_in_dim3A_324 : vector<16x1xi32> to vector<16xi32>
    %gather3A_326 = tpu.dynamic_gather %select_n3A_316[%gather3A_325] in [0] : vector<16xf32>, vector<16xi32> -> vector<16xf32>
    %broadcast_in_dim3A_327 = vector.shape_cast %and3A_323 : vector<16xi32> to vector<16x1xi32>
    %gather3A_328 = vector.shape_cast %broadcast_in_dim3A_327 : vector<16x1xi32> to vector<16xi32>
    %gather3A_329 = tpu.dynamic_gather %select_n3A_317[%gather3A_328] in [0] : vector<16xi32>, vector<16xi32> -> vector<16xi32>
    %gt3A_330 = arith.cmpf ogt, %gather3A_326, %select_n3A_316 : vector<16xf32>
    %eq3A_331 = arith.cmpf oeq, %gather3A_326, %select_n3A_316 : vector<16xf32>
    %lt3A_332 = arith.cmpi slt, %gather3A_329, %select_n3A_317 : vector<16xi32>
    %and3A_333 = arith.andi %eq3A_331, %lt3A_332 : vector<16xi1>
    %or3A_334 = arith.ori %gt3A_330, %and3A_333 : vector<16xi1>
    %select_n3A_335 = arith.select %or3A_334, %gather3A_326, %select_n3A_316 : vector<16xi1>, vector<16xf32>
    %select_n3A_336 = arith.select %or3A_334, %gather3A_329, %select_n3A_317 : vector<16xi1>, vector<16xi32>
    %swap3A = arith.constant 0 : i32
    %swap3A_337 = arith.index_cast %swap3A : i32 to index
    %swap3A_338 = arith.constant 0 : index
    %swap3A_339 = tpu.vector_load %arg6[%swap3A_337, %swap3A_338] {strides = array<i32>} : memref<2x16xf32, #tpu.memory_space<vmem>>, vector<1x16xf32>,
    %swap3A_340 = vector.shape_cast %swap3A_339 : vector<1x16xf32> to vector<16xf32>
    %swap3A_341 = vector.shape_cast %select_n3A_335 : vector<16xf32> to vector<1x16xf32>
    tpu.vector_store %arg6[%swap3A_337, %swap3A_338], %swap3A_341 {strides = array<i32>} : memref<2x16xf32, #tpu.memory_space<vmem>>, vector<1x16xf32>,
    %swap3A_342 = arith.constant 0 : i32
    %swap3A_343 = arith.index_cast %swap3A_342 : i32 to index
    %swap3A_344 = arith.constant 0 : index
    %swap3A_345 = tpu.vector_load %arg7[%swap3A_343, %swap3A_344] {strides = array<i32>} : memref<2x16xi32, #tpu.memory_space<vmem>>, vector<1x16xi32>,
    %swap3A_346 = vector.shape_cast %swap3A_345 : vector<1x16xi32> to vector<16xi32>
    %swap3A_347 = vector.shape_cast %select_n3A_336 : vector<16xi32> to vector<1x16xi32>
    tpu.vector_store %arg7[%swap3A_343, %swap3A_344], %swap3A_347 {strides = array<i32>} : memref<2x16xi32, #tpu.memory_space<vmem>>, vector<1x16xi32>,
    %mul3A_348 = arith.constant 128 : i32
    %mul3A_349 = vector.broadcast %mul3A_348 : i32 to vector<16xi32>
    %mul3A_350 = arith.muli %scan3A_161#24, %mul3A_349 : vector<16xi32>
    %add3A_351 = arith.constant 0 : i32
    %add3A_352 = vector.broadcast %add3A_351 : i32 to vector<16xi32>
    %add3A_353 = arith.addi %add3A_352, %iota3A : vector<16xi32>
    %add3A_354 = arith.addi %mul3A_350, %add3A_353 : vector<16xi32>
    %mul3A_355 = arith.constant 128 : i32
    %mul3A_356 = vector.broadcast %mul3A_355 : i32 to vector<16xi32>
    %mul3A_357 = arith.muli %scan3A_161#25, %mul3A_356 : vector<16xi32>
    %add3A_358 = arith.constant 16 : i32
    %add3A_359 = vector.broadcast %add3A_358 : i32 to vector<16xi32>
    %add3A_360 = arith.addi %add3A_359, %iota3A : vector<16xi32>
    %add3A_361 = arith.addi %mul3A_357, %add3A_360 : vector<16xi32>
    %mul3A_362 = arith.constant 128 : i32
    %mul3A_363 = vector.broadcast %mul3A_362 : i32 to vector<16xi32>
    %mul3A_364 = arith.muli %scan3A_161#26, %mul3A_363 : vector<16xi32>
    %add3A_365 = arith.constant 32 : i32
    %add3A_366 = vector.broadcast %add3A_365 : i32 to vector<16xi32>
    %add3A_367 = arith.addi %add3A_366, %iota3A : vector<16xi32>
    %add3A_368 = arith.addi %mul3A_364, %add3A_367 : vector<16xi32>
    %mul3A_369 = arith.constant 128 : i32
    %mul3A_370 = vector.broadcast %mul3A_369 : i32 to vector<16xi32>
    %mul3A_371 = arith.muli %scan3A_161#27, %mul3A_370 : vector<16xi32>
    %add3A_372 = arith.constant 48 : i32
    %add3A_373 = vector.broadcast %add3A_372 : i32 to vector<16xi32>
    %add3A_374 = arith.addi %add3A_373, %iota3A : vector<16xi32>
    %add3A_375 = arith.addi %mul3A_371, %add3A_374 : vector<16xi32>
    %mul3A_376 = arith.constant 128 : i32
    %mul3A_377 = vector.broadcast %mul3A_376 : i32 to vector<16xi32>
    %mul3A_378 = arith.muli %scan3A_161#28, %mul3A_377 : vector<16xi32>
    %add3A_379 = arith.constant 64 : i32
    %add3A_380 = vector.broadcast %add3A_379 : i32 to vector<16xi32>
    %add3A_381 = arith.addi %add3A_380, %iota3A : vector<16xi32>
    %add3A_382 = arith.addi %mul3A_378, %add3A_381 : vector<16xi32>
    %mul3A_383 = arith.constant 128 : i32
    %mul3A_384 = vector.broadcast %mul3A_383 : i32 to vector<16xi32>
    %mul3A_385 = arith.muli %scan3A_161#29, %mul3A_384 : vector<16xi32>
    %add3A_386 = arith.constant 80 : i32
    %add3A_387 = vector.broadcast %add3A_386 : i32 to vector<16xi32>
    %add3A_388 = arith.addi %add3A_387, %iota3A : vector<16xi32>
    %add3A_389 = arith.addi %mul3A_385, %add3A_388 : vector<16xi32>
    %mul3A_390 = arith.constant 128 : i32
    %mul3A_391 = vector.broadcast %mul3A_390 : i32 to vector<16xi32>
    %mul3A_392 = arith.muli %scan3A_161#30, %mul3A_391 : vector<16xi32>
    %add3A_393 = arith.constant 96 : i32
    %add3A_394 = vector.broadcast %add3A_393 : i32 to vector<16xi32>
    %add3A_395 = arith.addi %add3A_394, %iota3A : vector<16xi32>
    %add3A_396 = arith.addi %mul3A_392, %add3A_395 : vector<16xi32>
    %mul3A_397 = arith.constant 128 : i32
    %mul3A_398 = vector.broadcast %mul3A_397 : i32 to vector<16xi32>
    %mul3A_399 = arith.muli %scan3A_161#31, %mul3A_398 : vector<16xi32>
    %add3A_400 = arith.constant 112 : i32
    %add3A_401 = vector.broadcast %add3A_400 : i32 to vector<16xi32>
    %add3A_402 = arith.addi %add3A_401, %iota3A : vector<16xi32>
    %add3A_403 = arith.addi %mul3A_399, %add3A_402 : vector<16xi32>
    %gt3A_404 = arith.cmpf ogt, %scan3A_161#9, %scan3A_161#8 : vector<16xf32>
    %eq3A_405 = arith.cmpf oeq, %scan3A_161#9, %scan3A_161#8 : vector<16xf32>
    %lt3A_406 = arith.cmpi slt, %add3A_361, %add3A_354 : vector<16xi32>
    %and3A_407 = arith.andi %eq3A_405, %lt3A_406 : vector<16xi1>
    %or3A_408 = arith.ori %gt3A_404, %and3A_407 : vector<16xi1>
    %select_n3A_409 = arith.select %or3A_408, %scan3A_161#9, %scan3A_161#8 : vector<16xi1>, vector<16xf32>
    %select_n3A_410 = arith.select %or3A_408, %add3A_361, %add3A_354 : vector<16xi1>, vector<16xi32>
    %gt3A_411 = arith.cmpf ogt, %scan3A_161#11, %scan3A_161#10 : vector<16xf32>
    %eq3A_412 = arith.cmpf oeq, %scan3A_161#11, %scan3A_161#10 : vector<16xf32>
    %lt3A_413 = arith.cmpi slt, %add3A_375, %add3A_368 : vector<16xi32>
    %and3A_414 = arith.andi %eq3A_412, %lt3A_413 : vector<16xi1>
    %or3A_415 = arith.ori %gt3A_411, %and3A_414 : vector<16xi1>
    %select_n3A_416 = arith.select %or3A_415, %scan3A_161#11, %scan3A_161#10 : vector<16xi1>, vector<16xf32>
    %select_n3A_417 = arith.select %or3A_415, %add3A_375, %add3A_368 : vector<16xi1>, vector<16xi32>
    %gt3A_418 = arith.cmpf ogt, %scan3A_161#13, %scan3A_161#12 : vector<16xf32>
    %eq3A_419 = arith.cmpf oeq, %scan3A_161#13, %scan3A_161#12 : vector<16xf32>
    %lt3A_420 = arith.cmpi slt, %add3A_389, %add3A_382 : vector<16xi32>
    %and3A_421 = arith.andi %eq3A_419, %lt3A_420 : vector<16xi1>
    %or3A_422 = arith.ori %gt3A_418, %and3A_421 : vector<16xi1>
    %select_n3A_423 = arith.select %or3A_422, %scan3A_161#13, %scan3A_161#12 : vector<16xi1>, vector<16xf32>
    %select_n3A_424 = arith.select %or3A_422, %add3A_389, %add3A_382 : vector<16xi1>, vector<16xi32>
    %gt3A_425 = arith.cmpf ogt, %scan3A_161#15, %scan3A_161#14 : vector<16xf32>
    %eq3A_426 = arith.cmpf oeq, %scan3A_161#15, %scan3A_161#14 : vector<16xf32>
    %lt3A_427 = arith.cmpi slt, %add3A_403, %add3A_396 : vector<16xi32>
    %and3A_428 = arith.andi %eq3A_426, %lt3A_427 : vector<16xi1>
    %or3A_429 = arith.ori %gt3A_425, %and3A_428 : vector<16xi1>
    %select_n3A_430 = arith.select %or3A_429, %scan3A_161#15, %scan3A_161#14 : vector<16xi1>, vector<16xf32>
    %select_n3A_431 = arith.select %or3A_429, %add3A_403, %add3A_396 : vector<16xi1>, vector<16xi32>
    %gt3A_432 = arith.cmpf ogt, %select_n3A_416, %select_n3A_409 : vector<16xf32>
    %eq3A_433 = arith.cmpf oeq, %select_n3A_416, %select_n3A_409 : vector<16xf32>
    %lt3A_434 = arith.cmpi slt, %select_n3A_417, %select_n3A_410 : vector<16xi32>
    %and3A_435 = arith.andi %eq3A_433, %lt3A_434 : vector<16xi1>
    %or3A_436 = arith.ori %gt3A_432, %and3A_435 : vector<16xi1>
    %select_n3A_437 = arith.select %or3A_436, %select_n3A_416, %select_n3A_409 : vector<16xi1>, vector<16xf32>
    %select_n3A_438 = arith.select %or3A_436, %select_n3A_417, %select_n3A_410 : vector<16xi1>, vector<16xi32>
    %gt3A_439 = arith.cmpf ogt, %select_n3A_430, %select_n3A_423 : vector<16xf32>
    %eq3A_440 = arith.cmpf oeq, %select_n3A_430, %select_n3A_423 : vector<16xf32>
    %lt3A_441 = arith.cmpi slt, %select_n3A_431, %select_n3A_424 : vector<16xi32>
    %and3A_442 = arith.andi %eq3A_440, %lt3A_441 : vector<16xi1>
    %or3A_443 = arith.ori %gt3A_439, %and3A_442 : vector<16xi1>
    %select_n3A_444 = arith.select %or3A_443, %select_n3A_430, %select_n3A_423 : vector<16xi1>, vector<16xf32>
    %select_n3A_445 = arith.select %or3A_443, %select_n3A_431, %select_n3A_424 : vector<16xi1>, vector<16xi32>
    %gt3A_446 = arith.cmpf ogt, %select_n3A_444, %select_n3A_437 : vector<16xf32>
    %eq3A_447 = arith.cmpf oeq, %select_n3A_444, %select_n3A_437 : vector<16xf32>
    %lt3A_448 = arith.cmpi slt, %select_n3A_445, %select_n3A_438 : vector<16xi32>
    %and3A_449 = arith.andi %eq3A_447, %lt3A_448 : vector<16xi1>
    %or3A_450 = arith.ori %gt3A_446, %and3A_449 : vector<16xi1>
    %select_n3A_451 = arith.select %or3A_450, %select_n3A_444, %select_n3A_437 : vector<16xi1>, vector<16xf32>
    %select_n3A_452 = arith.select %or3A_450, %select_n3A_445, %select_n3A_438 : vector<16xi1>, vector<16xi32>
    %add3A_453 = arith.constant 8 : i32
    %add3A_454 = vector.broadcast %add3A_453 : i32 to vector<16xi32>
    %add3A_455 = arith.addi %iota3A, %add3A_454 : vector<16xi32>
    %and3A_456 = arith.constant 15 : i32
    %and3A_457 = vector.broadcast %and3A_456 : i32 to vector<16xi32>
    %and3A_458 = arith.andi %add3A_455, %and3A_457 : vector<16xi32>
    %broadcast_in_dim3A_459 = vector.shape_cast %and3A_458 : vector<16xi32> to vector<16x1xi32>
    %gather3A_460 = vector.shape_cast %broadcast_in_dim3A_459 : vector<16x1xi32> to vector<16xi32>
    %gather3A_461 = tpu.dynamic_gather %select_n3A_451[%gather3A_460] in [0] : vector<16xf32>, vector<16xi32> -> vector<16xf32>
    %broadcast_in_dim3A_462 = vector.shape_cast %and3A_458 : vector<16xi32> to vector<16x1xi32>
    %gather3A_463 = vector.shape_cast %broadcast_in_dim3A_462 : vector<16x1xi32> to vector<16xi32>
    %gather3A_464 = tpu.dynamic_gather %select_n3A_452[%gather3A_463] in [0] : vector<16xi32>, vector<16xi32> -> vector<16xi32>
    %gt3A_465 = arith.cmpf ogt, %gather3A_461, %select_n3A_451 : vector<16xf32>
    %eq3A_466 = arith.cmpf oeq, %gather3A_461, %select_n3A_451 : vector<16xf32>
    %lt3A_467 = arith.cmpi slt, %gather3A_464, %select_n3A_452 : vector<16xi32>
    %and3A_468 = arith.andi %eq3A_466, %lt3A_467 : vector<16xi1>
    %or3A_469 = arith.ori %gt3A_465, %and3A_468 : vector<16xi1>
    %select_n3A_470 = arith.select %or3A_469, %gather3A_461, %select_n3A_451 : vector<16xi1>, vector<16xf32>
    %select_n3A_471 = arith.select %or3A_469, %gather3A_464, %select_n3A_452 : vector<16xi1>, vector<16xi32>
    %add3A_472 = arith.constant 4 : i32
    %add3A_473 = vector.broadcast %add3A_472 : i32 to vector<16xi32>
    %add3A_474 = arith.addi %iota3A, %add3A_473 : vector<16xi32>
    %and3A_475 = arith.constant 15 : i32
    %and3A_476 = vector.broadcast %and3A_475 : i32 to vector<16xi32>
    %and3A_477 = arith.andi %add3A_474, %and3A_476 : vector<16xi32>
    %broadcast_in_dim3A_478 = vector.shape_cast %and3A_477 : vector<16xi32> to vector<16x1xi32>
    %gather3A_479 = vector.shape_cast %broadcast_in_dim3A_478 : vector<16x1xi32> to vector<16xi32>
    %gather3A_480 = tpu.dynamic_gather %select_n3A_470[%gather3A_479] in [0] : vector<16xf32>, vector<16xi32> -> vector<16xf32>
    %broadcast_in_dim3A_481 = vector.shape_cast %and3A_477 : vector<16xi32> to vector<16x1xi32>
    %gather3A_482 = vector.shape_cast %broadcast_in_dim3A_481 : vector<16x1xi32> to vector<16xi32>
    %gather3A_483 = tpu.dynamic_gather %select_n3A_471[%gather3A_482] in [0] : vector<16xi32>, vector<16xi32> -> vector<16xi32>
    %gt3A_484 = arith.cmpf ogt, %gather3A_480, %select_n3A_470 : vector<16xf32>
    %eq3A_485 = arith.cmpf oeq, %gather3A_480, %select_n3A_470 : vector<16xf32>
    %lt3A_486 = arith.cmpi slt, %gather3A_483, %select_n3A_471 : vector<16xi32>
    %and3A_487 = arith.andi %eq3A_485, %lt3A_486 : vector<16xi1>
    %or3A_488 = arith.ori %gt3A_484, %and3A_487 : vector<16xi1>
    %select_n3A_489 = arith.select %or3A_488, %gather3A_480, %select_n3A_470 : vector<16xi1>, vector<16xf32>
    %select_n3A_490 = arith.select %or3A_488, %gather3A_483, %select_n3A_471 : vector<16xi1>, vector<16xi32>
    %add3A_491 = arith.constant 2 : i32
    %add3A_492 = vector.broadcast %add3A_491 : i32 to vector<16xi32>
    %add3A_493 = arith.addi %iota3A, %add3A_492 : vector<16xi32>
    %and3A_494 = arith.constant 15 : i32
    %and3A_495 = vector.broadcast %and3A_494 : i32 to vector<16xi32>
    %and3A_496 = arith.andi %add3A_493, %and3A_495 : vector<16xi32>
    %broadcast_in_dim3A_497 = vector.shape_cast %and3A_496 : vector<16xi32> to vector<16x1xi32>
    %gather3A_498 = vector.shape_cast %broadcast_in_dim3A_497 : vector<16x1xi32> to vector<16xi32>
    %gather3A_499 = tpu.dynamic_gather %select_n3A_489[%gather3A_498] in [0] : vector<16xf32>, vector<16xi32> -> vector<16xf32>
    %broadcast_in_dim3A_500 = vector.shape_cast %and3A_496 : vector<16xi32> to vector<16x1xi32>
    %gather3A_501 = vector.shape_cast %broadcast_in_dim3A_500 : vector<16x1xi32> to vector<16xi32>
    %gather3A_502 = tpu.dynamic_gather %select_n3A_490[%gather3A_501] in [0] : vector<16xi32>, vector<16xi32> -> vector<16xi32>
    %gt3A_503 = arith.cmpf ogt, %gather3A_499, %select_n3A_489 : vector<16xf32>
    %eq3A_504 = arith.cmpf oeq, %gather3A_499, %select_n3A_489 : vector<16xf32>
    %lt3A_505 = arith.cmpi slt, %gather3A_502, %select_n3A_490 : vector<16xi32>
    %and3A_506 = arith.andi %eq3A_504, %lt3A_505 : vector<16xi1>
    %or3A_507 = arith.ori %gt3A_503, %and3A_506 : vector<16xi1>
    %select_n3A_508 = arith.select %or3A_507, %gather3A_499, %select_n3A_489 : vector<16xi1>, vector<16xf32>
    %select_n3A_509 = arith.select %or3A_507, %gather3A_502, %select_n3A_490 : vector<16xi1>, vector<16xi32>
    %add3A_510 = arith.constant 1 : i32
    %add3A_511 = vector.broadcast %add3A_510 : i32 to vector<16xi32>
    %add3A_512 = arith.addi %iota3A, %add3A_511 : vector<16xi32>
    %and3A_513 = arith.constant 15 : i32
    %and3A_514 = vector.broadcast %and3A_513 : i32 to vector<16xi32>
    %and3A_515 = arith.andi %add3A_512, %and3A_514 : vector<16xi32>
    %broadcast_in_dim3A_516 = vector.shape_cast %and3A_515 : vector<16xi32> to vector<16x1xi32>
    %gather3A_517 = vector.shape_cast %broadcast_in_dim3A_516 : vector<16x1xi32> to vector<16xi32>
    %gather3A_518 = tpu.dynamic_gather %select_n3A_508[%gather3A_517] in [0] : vector<16xf32>, vector<16xi32> -> vector<16xf32>
    %broadcast_in_dim3A_519 = vector.shape_cast %and3A_515 : vector<16xi32> to vector<16x1xi32>
    %gather3A_520 = vector.shape_cast %broadcast_in_dim3A_519 : vector<16x1xi32> to vector<16xi32>
    %gather3A_521 = tpu.dynamic_gather %select_n3A_509[%gather3A_520] in [0] : vector<16xi32>, vector<16xi32> -> vector<16xi32>
    %gt3A_522 = arith.cmpf ogt, %gather3A_518, %select_n3A_508 : vector<16xf32>
    %eq3A_523 = arith.cmpf oeq, %gather3A_518, %select_n3A_508 : vector<16xf32>
    %lt3A_524 = arith.cmpi slt, %gather3A_521, %select_n3A_509 : vector<16xi32>
    %and3A_525 = arith.andi %eq3A_523, %lt3A_524 : vector<16xi1>
    %or3A_526 = arith.ori %gt3A_522, %and3A_525 : vector<16xi1>
    %select_n3A_527 = arith.select %or3A_526, %gather3A_518, %select_n3A_508 : vector<16xi1>, vector<16xf32>
    %select_n3A_528 = arith.select %or3A_526, %gather3A_521, %select_n3A_509 : vector<16xi1>, vector<16xi32>
    %swap3A_529 = arith.constant 1 : i32
    %swap3A_530 = arith.index_cast %swap3A_529 : i32 to index
    %swap3A_531 = arith.constant 0 : index
    %swap3A_532 = tpu.vector_load %arg6[%swap3A_530, %swap3A_531] {strides = array<i32>} : memref<2x16xf32, #tpu.memory_space<vmem>>, vector<1x16xf32>,
    %swap3A_533 = vector.shape_cast %swap3A_532 : vector<1x16xf32> to vector<16xf32>
    %swap3A_534 = vector.shape_cast %select_n3A_527 : vector<16xf32> to vector<1x16xf32>
    tpu.vector_store %arg6[%swap3A_530, %swap3A_531], %swap3A_534 {strides = array<i32>} : memref<2x16xf32, #tpu.memory_space<vmem>>, vector<1x16xf32>,
    %swap3A_535 = arith.constant 1 : i32
    %swap3A_536 = arith.index_cast %swap3A_535 : i32 to index
    %swap3A_537 = arith.constant 0 : index
    %swap3A_538 = tpu.vector_load %arg7[%swap3A_536, %swap3A_537] {strides = array<i32>} : memref<2x16xi32, #tpu.memory_space<vmem>>, vector<1x16xi32>,
    %swap3A_539 = vector.shape_cast %swap3A_538 : vector<1x16xi32> to vector<16xi32>
    %swap3A_540 = vector.shape_cast %select_n3A_528 : vector<16xi32> to vector<1x16xi32>
    tpu.vector_store %arg7[%swap3A_536, %swap3A_537], %swap3A_540 {strides = array<i32>} : memref<2x16xi32, #tpu.memory_space<vmem>>, vector<1x16xi32>,
    "tpu.region"() ({
      %run_scoped3A = tpu.sem_alloc : memref<!tpu.dma_semaphore, #tpu.memory_space<semaphore_mem>>
      %dma_start3A_541 = arith.constant 0 : i32
      %dma_start3A_542 = tpu.memref_slice %arg3[%mul3A_2, %dma_start3A_541] : memref<64x16xf32, #tpu.memory_space<hbm>> -> memref<2x16xf32, #tpu.memory_space<hbm>>
      %dma_start3A_543 = arith.constant 0 : i32
      %dma_start3A_544 = tpu.memref_slice %arg3[%mul3A_2, %dma_start3A_543] : memref<64x16xf32, #tpu.memory_space<hbm>> -> memref<2x16xf32, #tpu.memory_space<hbm>>
      tpu.enqueue_dma source(%arg6 : memref<2x16xf32, #tpu.memory_space<vmem>>) target(%dma_start3A_544 : memref<2x16xf32, #tpu.memory_space<hbm>>) target_semaphore(%run_scoped3A : memref<!tpu.dma_semaphore, #tpu.memory_space<semaphore_mem>>)
      %dma_wait3A_545 = arith.constant 0 : i32
      %dma_wait3A_546 = tpu.memref_slice %arg3[%mul3A_2, %dma_wait3A_545] : memref<64x16xf32, #tpu.memory_space<hbm>> -> memref<2x16xf32, #tpu.memory_space<hbm>>
      %dma_wait3A_547 = arith.constant 0 : i32
      %dma_wait3A_548 = tpu.memref_slice %arg3[%mul3A_2, %dma_wait3A_547] : memref<64x16xf32, #tpu.memory_space<hbm>> -> memref<2x16xf32, #tpu.memory_space<hbm>>
      tpu.wait_dma2 semaphore(%run_scoped3A : memref<!tpu.dma_semaphore, #tpu.memory_space<semaphore_mem>>) src(%arg6 : memref<2x16xf32, #tpu.memory_space<vmem>>) dst(%dma_wait3A_548 : memref<2x16xf32, #tpu.memory_space<hbm>>)
      tpu.yield
    }) : () -> ()
    "tpu.region"() ({
      %run_scoped3A = tpu.sem_alloc : memref<!tpu.dma_semaphore, #tpu.memory_space<semaphore_mem>>
      %dma_start3A_541 = arith.constant 0 : i32
      %dma_start3A_542 = tpu.memref_slice %arg4[%mul3A_2, %dma_start3A_541] : memref<64x16xi32, #tpu.memory_space<hbm>> -> memref<2x16xi32, #tpu.memory_space<hbm>>
      %dma_start3A_543 = arith.constant 0 : i32
      %dma_start3A_544 = tpu.memref_slice %arg4[%mul3A_2, %dma_start3A_543] : memref<64x16xi32, #tpu.memory_space<hbm>> -> memref<2x16xi32, #tpu.memory_space<hbm>>
      tpu.enqueue_dma source(%arg7 : memref<2x16xi32, #tpu.memory_space<vmem>>) target(%dma_start3A_544 : memref<2x16xi32, #tpu.memory_space<hbm>>) target_semaphore(%run_scoped3A : memref<!tpu.dma_semaphore, #tpu.memory_space<semaphore_mem>>)
      %dma_wait3A_545 = arith.constant 0 : i32
      %dma_wait3A_546 = tpu.memref_slice %arg4[%mul3A_2, %dma_wait3A_545] : memref<64x16xi32, #tpu.memory_space<hbm>> -> memref<2x16xi32, #tpu.memory_space<hbm>>
      %dma_wait3A_547 = arith.constant 0 : i32
      %dma_wait3A_548 = tpu.memref_slice %arg4[%mul3A_2, %dma_wait3A_547] : memref<64x16xi32, #tpu.memory_space<hbm>> -> memref<2x16xi32, #tpu.memory_space<hbm>>
      tpu.wait_dma2 semaphore(%run_scoped3A : memref<!tpu.dma_semaphore, #tpu.memory_space<semaphore_mem>>) src(%arg7 : memref<2x16xi32, #tpu.memory_space<vmem>>) dst(%dma_wait3A_548 : memref<2x16xi32, #tpu.memory_space<hbm>>)
      tpu.yield
    }) : () -> ()
    return
  }
}

module attributes {stable_mosaic.version = 14 : i64} {
  func.func @_tc_body(%arg0: i32, %arg1: memref<64x4096xf32, #tpu.memory_space<vmem>>, %arg2: memref<64x1xf32, #tpu.memory_space<vmem>>, %arg3: memref<64x1xi32, #tpu.memory_space<vmem>>) attributes {dimension_semantics = [#tpu.dimension_semantics<arbitrary>], iteration_bounds = array<i64: 5>, scalar_prefetch = 0 : i64, scratch_operands = 0 : i64, tpu.core_type = #tpu.core_type<tc>, window_params = [{transform_indices = @transform_0, window_bounds = array<i64: 64, 4096>}, {pipeline_mode = #tpu.pipeline_mode<synchronous>, transform_indices = @transform_1, window_bounds = array<i64: 64, 1>}, {pipeline_mode = #tpu.pipeline_mode<synchronous>, transform_indices = @transform_2, window_bounds = array<i64: 64, 1>}]} {
    %get3A = arith.constant 0 : index
    %get3A_0 = arith.constant 0 : index
    %get3A_1 = vector.load %arg1[%get3A, %get3A_0] : memref<64x4096xf32, #tpu.memory_space<vmem>>, vector<64x4096xf32>
    %reduce_max3A = arith.constant dense<0xFF800000> : vector<64xf32>
    %reduce_max3A_2 = vector.multi_reduction <maximumf>, %get3A_1, %reduce_max3A [1] : vector<64x4096xf32> to vector<64xf32>
    %broadcast_in_dim3A = vector.shape_cast %reduce_max3A_2 : vector<64xf32> to vector<64x1xf32>
    %iota3A = tpu.iota {dimensions = array<i32: 1>} : vector<64x4096xi32>
    %eq3A = vector.broadcast %broadcast_in_dim3A : vector<64x1xf32> to vector<64x4096xf32>
    %eq3A_3 = arith.cmpf oeq, %get3A_1, %eq3A : vector<64x4096xf32>
    %jit3A = arith.constant 32768 : i32
    %broadcast_in_dim3A_4 = vector.broadcast %jit3A : i32 to vector<64x4096xi32>
    %select_n3A = arith.select %eq3A_3, %iota3A, %broadcast_in_dim3A_4 : vector<64x4096xi1>, vector<64x4096xi32>
    %reduce_min3A = arith.constant dense<2147483647> : vector<64xi32>
    %reduce_min3A_5 = vector.multi_reduction <minsi>, %select_n3A, %reduce_min3A [1] : vector<64x4096xi32> to vector<64xi32>
    %broadcast_in_dim3A_6 = vector.shape_cast %reduce_min3A_5 : vector<64xi32> to vector<64x1xi32>
    %mul3A = arith.constant 4096 : i32
    %mul3A_7 = arith.muli %arg0, %mul3A : i32
    %add3A = arith.constant 12288 : i32
    %add3A_8 = arith.addi %add3A, %mul3A_7 : i32
    %add3A_9 = vector.broadcast %add3A_8 : i32 to vector<64x1xi32>
    %add3A_10 = arith.addi %broadcast_in_dim3A_6, %add3A_9 : vector<64x1xi32>
    %eq3A_11 = arith.constant 0 : i32
    %eq3A_12 = arith.cmpi eq, %arg0, %eq3A_11 : i32
    %convert_element_type3A = arith.extui %eq3A_12 : i1 to i32
    %cond3A = arith.constant 0 : i32
    %cond3A_13 = arith.cmpi ne, %convert_element_type3A, %cond3A : i32
    scf.if %cond3A_13 {
      %swap3A = arith.constant 0 : index
      %swap3A_18 = arith.constant 0 : index
      %swap3A_19 = vector.load %arg2[%swap3A, %swap3A_18] : memref<64x1xf32, #tpu.memory_space<vmem>>, vector<64x1xf32>
      tpu.vector_store %arg2[%swap3A, %swap3A_18], %broadcast_in_dim3A {strides = array<i32>} : memref<64x1xf32, #tpu.memory_space<vmem>>, vector<64x1xf32>,
      %swap3A_20 = arith.constant 0 : index
      %swap3A_21 = arith.constant 0 : index
      %swap3A_22 = vector.load %arg3[%swap3A_20, %swap3A_21] : memref<64x1xi32, #tpu.memory_space<vmem>>, vector<64x1xi32>
      tpu.vector_store %arg3[%swap3A_20, %swap3A_21], %add3A_10 {strides = array<i32>} : memref<64x1xi32, #tpu.memory_space<vmem>>, vector<64x1xi32>,
    } else {
    }
    %ne3A = arith.constant 0 : i32
    %ne3A_14 = arith.cmpi ne, %arg0, %ne3A : i32
    %convert_element_type3A_15 = arith.extui %ne3A_14 : i1 to i32
    %cond3A_16 = arith.constant 0 : i32
    %cond3A_17 = arith.cmpi ne, %convert_element_type3A_15, %cond3A_16 : i32
    scf.if %cond3A_17 {
      %get3A_18 = arith.constant 0 : index
      %get3A_19 = arith.constant 0 : index
      %get3A_20 = vector.load %arg2[%get3A_18, %get3A_19] : memref<64x1xf32, #tpu.memory_space<vmem>>, vector<64x1xf32>
      %gt3A = arith.cmpf ogt, %broadcast_in_dim3A, %get3A_20 : vector<64x1xf32>
      %get3A_21 = arith.constant 0 : index
      %get3A_22 = arith.constant 0 : index
      %get3A_23 = vector.load %arg3[%get3A_21, %get3A_22] : memref<64x1xi32, #tpu.memory_space<vmem>>, vector<64x1xi32>
      %select_n3A_24 = arith.select %gt3A, %add3A_10, %get3A_23 : vector<64x1xi1>, vector<64x1xi32>
      %swap3A = arith.constant 0 : index
      %swap3A_25 = arith.constant 0 : index
      %swap3A_26 = vector.load %arg3[%swap3A, %swap3A_25] : memref<64x1xi32, #tpu.memory_space<vmem>>, vector<64x1xi32>
      tpu.vector_store %arg3[%swap3A, %swap3A_25], %select_n3A_24 {strides = array<i32>} : memref<64x1xi32, #tpu.memory_space<vmem>>, vector<64x1xi32>,
      %get3A_27 = arith.constant 0 : index
      %get3A_28 = arith.constant 0 : index
      %get3A_29 = vector.load %arg2[%get3A_27, %get3A_28] : memref<64x1xf32, #tpu.memory_space<vmem>>, vector<64x1xf32>
      %select_n3A_30 = arith.select %gt3A, %broadcast_in_dim3A, %get3A_29 : vector<64x1xi1>, vector<64x1xf32>
      %swap3A_31 = arith.constant 0 : index
      %swap3A_32 = arith.constant 0 : index
      %swap3A_33 = vector.load %arg2[%swap3A_31, %swap3A_32] : memref<64x1xf32, #tpu.memory_space<vmem>>, vector<64x1xf32>
      tpu.vector_store %arg2[%swap3A_31, %swap3A_32], %select_n3A_30 {strides = array<i32>} : memref<64x1xf32, #tpu.memory_space<vmem>>, vector<64x1xf32>,
    } else {
    }
    return
  }
  func.func @transform_0(%arg0: i32) -> (i32, i32) {
    %add3A = arith.constant 3 : i32
    %add3A_0 = arith.addi %arg0, %add3A : i32
    %c0_i32 = arith.constant 0 : i32
    %c0_i32_1 = arith.constant 0 : i32
    return %c0_i32, %add3A_0 : i32, i32
  }
  func.func @transform_1(%arg0: i32) -> (i32, i32) {
    %c0_i32 = arith.constant 0 : i32
    %c0_i32_0 = arith.constant 0 : i32
    %c0_i32_1 = arith.constant 0 : i32
    return %c0_i32, %c0_i32_0 : i32, i32
  }
  func.func @transform_2(%arg0: i32) -> (i32, i32) {
    %c0_i32 = arith.constant 0 : i32
    %c0_i32_0 = arith.constant 0 : i32
    %c0_i32_1 = arith.constant 0 : i32
    return %c0_i32, %c0_i32_0 : i32, i32
  }
}

</mosaic_0001>

<sc_bundles>
// kernel: _topk1.4.cloned.1.call-start
scs
__scs_entry_jumppad:
0x0: {  	(pc) =	sbr.rel $0x88, $3  }
0x1: {  	(tag) =	ssettag $0x0;
	lr =	simm.s32 $0x1  }
0x2: {  	[smem:$0x3FA0] =	sst lr;
	_ =	strace $0xD0000000  }
0x3: {  	_ = 	snop  }
0x4: {  	_ = 	snop  }
0x5: {  	_ = 	snop  }
0x6: {  	_ = 	snop  }
0x7: {  	_ = 	snop  }
__scs_overlays_trampoline_lowered:
0x8: {  	[smem:$0x3FAF] =	sst s0  }
0x9: {  	[smem:$0x3FB0] =	sst s1  }
0xa: {  	[smem:$0x3FB1] =	sst s2  }
0xb: {  	[smem:$0x3FB2] =	sst s3  }
0xc: {  	[smem:$0x3FB3] =	sst s4  }
0xd: {  	[smem:$0x3FB4] =	sst s5  }
0xe: {  	[smem:$0x3FB5] =	sst s6  }
0xf: {  	[smem:$0x3FB6] =	sst s7  }
0x10: {  	[smem:$0x3FB7] =	sst s8  }
0x11: {  	[smem:$0x3FB8] =	sst s9;
	s0 =	simm.s32 @!p0 $0x0  }
0x12: {  	s1 =	sld [smem:$0x3F9E];
	s0 =	simm.s32 @p0 $0x1  }
0x13: {  	[smem:$0x3FB9] =	sst s0;
	s0 =	simm.s32 @!p1 $0x0  }
0x14: {  	s2 =	sld [smem:$0x3F9D];
	s0 =	simm.s32 @p1 $0x1  }
0x15: {  	[smem:$0x3FBA] =	sst s0;
	s0 =	simm.s32 @!p2 $0x0  }
0x16: {  	s3 =	sld [smem:$0x3FDB];
	s0 =	simm.s32 @p2 $0x1  }
0x17: {  	s4 =	simm.s32 $0x1BF5;
	[smem:$0x3FBC] =	sst s0  }
0x18: {  	s0 =	sld [smem:$0x3F9F];
	_ =	swait.ge [sflag:s4], $0x0  }
0x19: {  	s7 =	sld [smem:$0x3FA0]  }
0x1a: {  	s8 =	sadd.s32 $0xFFFFE003, lr  }
0x1b: {  	s9 =	sadd.s32 $0xFFFFFEF7, lr;
	s5 =	simm.s32 $0xFFFFFFFF;
	p2 =	slt.u32 s8, $0xFFFFF086  }
0x1c: {  	p1 =	slt.u32 s9, $0xF7A;
	s5 =	simm.s32 @!p2 $0x0  }
0x1d: {  	s5 =	simm.s32 @p1 $0x1;
	p0 =	seq.s32 s7, s2  }
0x1e: {  	s7 =	smul.u32 @!p0 $0xF7A, s2;
	p2 =	seq.s32 @!p0 s5, $0x0  }
0x1f: {  	s9 =	smul.u32 $0xF7A, s1;
	s8 =	simm.s32 @!p0 $0x1BF5;
	p2 =	por !p2, p0  }
0x20: {  	[sflag:s8] =	ssyncset.s32 @!p0 $0xFFFFF086;
	s6 =	sadd.s32 @!p0 s3, s7;
	s7 =	simm.s32 @!p0 $0x108  }
0x21: {  	s3 =	sadd.s32 s3, s9;
	s6 =	sadd.s32 @!p0 $0x88, s6;
	s7 =	simm.s32 @p2 $0x1082  }
0x22: {  	[simem:s7], [sflag:s8] =	dma.local @!p0 [hbm:s6], $0xF7A  }
0x23: {  	s9 =	sor.u32 $0xD0000000, s2;
	s6 =	simm.s32 $0x108;
	_ =	swait.ge @!p0 [sflag:s8], $0x0  }
0x24: {  	s3 =	sadd.s32 $0x88, s3;
	s6 =	simm.s32 @!p1 $0x1082;
	[sflag:s4] =	ssyncset.s32 $0xFFFFF086  }
0x25: {  	[simem:s6], [sflag:s4] =	dma.local [hbm:s3], $0xF7A  }
0x26: {  	[smem:$0x3FA0] =	sst s1;
	(tag) =	ssettag s2;
	_ =	strace s9  }
0x27: {  	s1 =	sld [smem:$0x3FB0]  }
0x28: {  	s2 =	sld [smem:$0x3FB1]  }
0x29: {  	s4 =	sld [smem:$0x3FB3]  }
0x2a: {  	p0 =	seq.s32 s5, $0x0;
	s5 =	sld [smem:$0x3FB4]  }
0x2b: {  	s6 =	sld [smem:$0x3FB5]  }
0x2c: {  	s7 =	sld [smem:$0x3FB6]  }
0x2d: {  	s3 =	simm.s32 $0x108;
	s8 =	sld [smem:$0x3FB7]  }
0x2e: {  	s3 =	simm.s32 @!p0 $0x1082;
	s9 =	sld [smem:$0x3FB8]  }
0x2f: {  	lr =	sadd.s32 s0, s3;
	s0 =	sld [smem:$0x3FAF]  }
0x30: {  	s3 =	sld [smem:$0x3FB2]  }
0x31: {  	[smem:$0x3FBB] =	sst s10  }
0x32: {  	s10 =	sld [smem:$0x3FB9];
	_ =	sdelay $0x3  }
0x33: {  	p0 =	seq.s32 s10, $0x1;
	s10 =	sld [smem:$0x3FBB];
	_ =	sdelay $0x3  }
0x34: {  	[smem:$0x3FBB] =	sst s10  }
0x35: {  	s10 =	sld [smem:$0x3FBA];
	_ =	sdelay $0x3  }
0x36: {  	p1 =	seq.s32 s10, $0x1;
	s10 =	sld [smem:$0x3FBB];
	_ =	sdelay $0x3  }
0x37: {  	[smem:$0x3FBB] =	sst s10  }
0x38: {  	s10 =	sld [smem:$0x3FBC]  }
0x39: {  	_ = 	snop;
	(pc) =	sbr.ind lr, $3  }
0x3a: {  	_ = 	snop  }
0x3b: {  	_ = 	snop  }
0x3c: {  	p2 =	seq.s32 s10, $0x1;
	s10 =	sld [smem:$0x3FBB]  }
0x3d: {  	_ =	shalt  }
0x3e: {  	_ =	shalt  }
0x3f: {  	_ =	shalt  }
0x40: {  	_ =	shalt  }
0x41: {  	_ =	shalt  }
0x42: {  	_ =	shalt  }
0x43: {  	_ =	shalt  }
0x44: {  	_ =	shalt  }
0x45: {  	_ =	shalt  }
0x46: {  	_ =	shalt  }
0x47: {  	_ =	shalt  }
0x48: {  	_ =	shalt  }
0x49: {  	_ =	shalt  }
0x4a: {  	_ =	shalt  }
0x4b: {  	_ =	shalt  }
0x4c: {  	_ =	shalt  }
0x4d: {  	_ =	shalt  }
0x4e: {  	_ =	shalt  }
0x4f: {  	_ =	shalt  }
0x50: {  	_ =	shalt  }
0x51: {  	_ =	shalt  }
0x52: {  	_ =	shalt  }
0x53: {  	_ =	shalt  }
0x54: {  	_ =	shalt  }
0x55: {  	_ =	shalt  }
0x56: {  	_ =	shalt  }
0x57: {  	_ =	shalt  }
0x58: {  	_ =	shalt  }
0x59: {  	_ =	shalt  }
0x5a: {  	_ =	shalt  }
0x5b: {  	_ =	shalt  }
0x5c: {  	_ =	shalt  }
0x5d: {  	_ =	shalt  }
0x5e: {  	_ =	shalt  }
0x5f: {  	_ =	shalt  }
0x60: {  	_ =	shalt  }
0x61: {  	_ =	shalt  }
0x62: {  	_ =	shalt  }
0x63: {  	_ =	shalt  }
0x64: {  	_ =	shalt  }
0x65: {  	_ =	shalt  }
0x66: {  	_ =	shalt  }
0x67: {  	_ =	shalt  }
0x68: {  	_ =	shalt  }
0x69: {  	_ =	shalt  }
0x6a: {  	_ =	shalt  }
0x6b: {  	_ =	shalt  }
0x6c: {  	_ =	shalt  }
0x6d: {  	_ =	shalt  }
0x6e: {  	_ =	shalt  }
0x6f: {  	_ =	shalt  }
0x70: {  	_ =	shalt  }
0x71: {  	_ =	shalt  }
0x72: {  	_ =	shalt  }
0x73: {  	_ =	shalt  }
0x74: {  	_ =	shalt  }
0x75: {  	_ =	shalt  }
0x76: {  	_ =	shalt  }
0x77: {  	_ =	shalt  }
0x78: {  	_ =	shalt  }
0x79: {  	_ =	shalt  }
0x7a: {  	_ =	shalt  }
0x7b: {  	_ =	shalt  }
0x7c: {  	_ =	shalt  }
0x7d: {  	_ =	shalt  }
0x7e: {  	_ =	shalt  }
0x7f: {  	_ =	shalt  }
0x80: {  	_ =	shalt  }
0x81: {  	_ =	shalt  }
0x82: {  	_ =	shalt  }
0x83: {  	_ =	shalt  }
0x84: {  	_ =	shalt  }
0x85: {  	_ =	shalt  }
0x86: {  	_ =	shalt  }
0x87: {  	_ =	shalt  }
.Lfunc_end0:
.L_simem_size_0:
called_computation_lowered:
.L_overlay_start_0:
0x88: {  	s2 =	sld [smem:$0x3FD9]  }
0x89: {  	s3 =	sld [smem:$0x3FFE];
	_ =	sdelay $0x1  }
0x8a: {  	s1 =	srdreg.scid  }
0x8b: {  	s0 =	sand.u32 $0x1, s1  }
0x8c: {  	s17 =	sshll.u32 s0, $0xA;
	s2 =	sadd.s32 s3, s2  }
0x8d: {  	s2 =	sadd.s32 s2, s17  }
0x8e: {  	[smem:$0x3FC7] =	sst s2  }
0x8f: {  	_ = 	snop  }
0x90: {  	s2 =	sld [smem:$0x3FC9];
	(tm) =	ssettm $0x1  }
0x91: {  	s18 =	sld [smem:$0x3FFB];
	_ =	sdelay $0x3  }
0x92: {  	_ =	strace s18  }
0x93: {  	s3 =	sld [smem:$0x3FFC];
	_ =	sdelay $0x3  }
0x94: {  	_ =	strace s3  }
0x95: {  	s3 =	sld [smem:$0x3FFD];
	_ =	sdelay $0x3  }
0x96: {  	_ =	strace s3  }
0x97: {  	_ =	strace $0x8FFFFFFF  }
0x98: {  	s19 =	sld [smem:$0x3FDB];
	_ =	sdelay $0x1  }
0x99: {  	s4 =	simm.s32 $_scs_section_size  }
0x9a: {  	s5 =	simm.s32 $_size__tile_overlayer_lowered;
	s6 =	simm.s32 $_tile_overlayer_lowered  }
0x9b: {  	s22 =	simm.s32 $0x1BFF;
	s21 =	sshll.u32 s6, $0x1;
	s3 =	sadd.s32 s4, s19  }
0x9c: {  	s7 =	simm.s32 $0x0;
	s20 =	sshll.u32 s5, $0x1;
	s5 =	sadd.s32 s21, s3  }
0x9d: {  	[timem:s7], [sflag:s22] =	dma.local [hbm:s5], s20  }
0x9e: {  	_ =	swait.ge [sflag:s22], s20  }
0x9f: {  	s4 =	ssub.s32 $0x0, s20;
	[sflag:s22] =	ssyncset.done $0x0  }
0xa0: {  	[sflag:s22] =	ssyncadd.s32 s4;
	_ =	sdelay $0x1  }
0xa1: {  	s23 =	simm.s32 $0x1B8B  }
0xa2: {  	_ =	swait.ge [sflag:s23], $0x1  }
0xa3: {  	[sflag:s23] =	ssyncset.done $0x0  }
0xa4: {  	s25 =	simm.s32 $0x1B8E;
	s24 =	sld [smem:$0x3FFE];
	[sflag:s23] =	ssyncadd.s32 $0xFFFFFFFF  }
0xa5: {  	s26 =	simm.s32 $execute0_lowered;
	[smem:$0x3FD2] =	sst s25  }
0xa6: {  	s5 =	sshll.u32 s26, $0x1;
	_ =	strace $0x80000046;
	[dreg:$0x1] =	wrdreg $0xFFFFFFFF  }
0xa7: {  	s28 =	simm.s32 $_size_execute0_lowered;
	s3 =	sadd.s32 s3, s5;
	[dreg:$0x0] =	wrdreg $0x0  }
0xa8: {  	s5 =	sshll.u32 s28, $0x1;
	[dreg:$0x2] =	wrdreg s3  }
0xa9: {  	[dreg:$0x3] =	wrdreg s5  }
0xaa: {  	[dreg:$0x4] =	wrdreg $0xC0  }
0xab: {  	_ =	task [dreg:s7], $0x5FFFF  }
0xac: {  	[dreg:$0x1] =	wrdreg $0xFFFFFFFF  }
0xad: {  	[dreg:$0x0] =	wrdreg $0x60  }
0xae: {  	[dreg:$0x2] =	wrdreg s2  }
0xaf: {  	[dreg:$0x3] =	wrdreg s24  }
0xb0: {  	[dreg:$0x4] =	wrdreg $0x9  }
0xb1: {  	_ =	task.clear_ibuf [dreg:s7], $0x5FFFF;
	_ =	strace $0x90000046  }
0xb2: {  	s29 =	simm.s32 $0x9;
	_ =	strace $0x80000048  }
0xb3: {  	_ =	swait.ge [sflag:s29], $0x1  }
0xb4: {  	[sflag:s29] =	ssyncadd.s32 $0xFFFFFFFF  }
0xb5: {  	_ =	strace $0x90000048  }
0xb6: {  	_ =	sfence  }
0xb7: {  	s30 =	sld [smem:$0x0];
	_ =	sdelay $0x2  }
0xb8: {  	s31 =	sshll.u32 s1, $0xD;
	s1 =	sshrl.u32 s1, $0x2  }
0xb9: {  	s3 =	sand.u32 $0x4000, s31;
	s1 =	sadd.s32 s1, s30  }
0xba: {  	s0 =	sor.u32 s3, s0;
	s1 =	sshll.u32 s1, $0x11  }
0xbb: {  	s0 =	sor.u32 s1, s0  }
0xbc: {  	s0 =	sadd.s32 $0x8F2B, s0  }
0xbd: {  	[sflag:s0] =	ssyncadd.remote.s32 $0x1  }
0xbe: {  	_ =	sfence.sel $0xFFFF  }
0xbf: {  	[dreg:$0x0] =	wrdreg $0xFFFFFFFF;
	(pc) =	sbr.abs _section_cstart, $3  }
0xc0: {  	[dreg:$0x1] =	wrdreg $0xFFFFFFFF  }
0xc1: {  	_ =	task.clear_ibuf [dreg:s7], $0x2FFFF;
	_ =	strace $0x9FFFFFFF  }
0xc2: {  	(tm) =	ssettm $0x7FFFFFFF  }
0xc3: {  	_ =	shalt  }
tec
execute0_lowered:
.L_overlay_start_1:
0x0: {  	(tag) =	ssettag $0x1  }
0x1: {  	s1 =	srdreg.scid;
	s5 =	rddreg [dreg:$0x0]  }
0x2: {  	s0 =	stileid.u32;
	s4 =	rddreg [dreg:$0x1]  }
0x3: {  	s11 =	simm.s32 $0x3;
	s12 =	simm.s32 $0x2;
	s13 =	simm.s32 $0x4  }
0x4: {  	v0 =	vimm.s32 $0xFEDCBA98;
	s14 =	simm.s32 $0x6000;
	s15 =	simm.s32 $0x5;
	s16 =	simm.s32 $0x6100  }
0x5: {  	v1 =	vimm.s32 $0x76543210;
	v2 =	vimm.s32 $0x3210FEDC;
	v3 =	vimm.s32 $0xBA987654;
	s17 =	simm.s32 $0x0;
	s3 =	sand.u32 $0x1, s1;
	s6 =	sshll.u32 s0, $0x1  }
0x6: {  	v4 =	vimm.s32 $0x10FEDCBA;
	v5 =	vimm.s32 $0x98765432;
	s1 =	rddreg [dreg:$0x2];
	s8 =	sshll.u32 s0, $0x8;
	s30 =	sadd.s32 $0x1800, s5  }
0x7: {  	v6 =	vimm.s32 $0xFEDCBA9;
	v7 =	vimm.s32 $0x87654321;
	s2 =	sshll.u32 s3, $0x5;
	s9 =	sand.u32 $0x300, s8;
	s3 =	ssub.s32 $0x2, s3  }
0x8: {  	v0 =	vunpack.c.l.s4.s8 v0;
	v1 =	vunpack.c.l.s4.s8 v1;
	v2 =	vunpack.c.l.s4.s8 v2;
	s6 =	sor.u32 s6, s2;
	s2 =	simm.s32 $0x0;
	s24 =	sshrl.u32 s3, $0x1  }
0x9: {  	v3 =	vunpack.c.l.s4.s8 v3;
	v4 =	vunpack.c.l.s4.s8 v4;
	v5 =	vunpack.c.l.s4.s8 v5;
	s7 =	sshrl.u32 s6, $0x3;
	[smem:$0x7FF] =	sst s2;
	s6 =	sshll.u32 s6, $0xF  }
0xa: {  	v6 =	vunpack.c.l.s4.s8 v6;
	v7 =	vunpack.c.l.s4.s8 v7;
	v0 =	vunpack.c.0.s8.s32 v0;
	s25 =	ssub.s32 s3, s24;
	s10 =	sshll.u32 s7, $0xA;
	_ =	strace $0x80000047  }
0xb: {  	v2 =	vunpack.c.0.s8.s32 v2;
	v3 =	vunpack.c.0.s8.s32 v3;
	v4 =	vunpack.c.0.s8.s32 v4;
	s6 =	sor.u32 s6, s8;
	s7 =	sshll.u32 s7, $0x12;
	s10 =	sor.u32 s9, s10  }
0xc: {  	v5 =	vunpack.c.0.s8.s32 v5;
	v6 =	vunpack.c.0.s8.s32 v6;
	v7 =	vunpack.c.0.s8.s32 v7;
	s6 =	sand.u32 $0x1C0300, s6;
	s26 =	sor.u32 s9, s7;
	s9 =	smax.u32 s25, $0x1  }
0xd: {  	v1 =	vunpack.c.0.s8.s32 v1;
	v2 =	vcombine.low v3, v2;
	s10 =	sshrl.u32 s10, $0x3;
	s28 =	sshrl.u32 s6, $0x3;
	s29 =	sshrl.u32 s26, $0x3  }
0xe: {  	v3 =	vcombine.low v5, v4;
	v4 =	vand.u32 $0xF, v0;
	v5 =	vcombine.low v7, v6;
	s23 =	sadd.s32 s10, s4;
	s31 =	sor.u32 $0x10, s28;
	s3 =	sadd.s32 s5, s29  }
0xf: {  	v0 =	vlaneseq.u32;
	v1 =	vcombine.low v4, v1;
	s4 =	sadd.s32 s29, s30;
	s10 =	simm.s32 $0x1;
	s5 =	sadd.s32 s5, s31  }
0x10: {  	v2 =	vand.u32 $0xF, v2;
	v3 =	vand.u32 $0xF, v3;
	v4 =	vand.u32 $0xF, v5;
	s6 =	sadd.s32 s31, s30;
	s7 =	sadd.s32 $0xC00, s23;
	s8 =	sadd.s32 $0x1000, s23  }
.LBB2_1:
0x11: {  	s18 =	simm.s32 $0x80  }
0x12: {  	s21 =	sadd.s32 $0x0, s3;
	s19 =	simm.s32 $0x100;
	s20 =	simm.s32 $0x0  }
.LBB2_2:
0x13: {  	[tilespmem:s20], [sflag:$0x1] =	stream.linear.gather [hbm4b:s21+s2], $0x80, $0x38;
	[tilespmem:$0x6200] =	vst v63  }
0x14: {  	s21 =	smov.u32 s18;
	s20 =	smov.u32 s19;
	p0 =	sne.s32 s18, $0x1780  }
.Ltmp0:
0x15: {  	s18 =	sadd.s32 $0x80, s18;
	(pc) =	sbr.rel @p0 .LBB2_2-.Ltmp0, $2  }
0x16: {  	_ =	sdelay $0x2  }
0x17: {  	s19 =	sadd.s32 $0x100, s19;
	s21 =	sadd.s32 s21, s3  }
0x18: {  	[tilespmem:s20], [sflag:$0x1] =	stream.linear.gather [hbm4b:s21+s2], $0x80, $0x38;
	[tilespmem:$0x6200] =	vst v63  }
0x19: {  	s18 =	simm.s32 $0x3000  }
0x1a: {  	s19 =	simm.s32 $0x80;
	s21 =	sadd.s32 $0x0, s4;
	s20 =	simm.s32 $0x3100  }
.LBB2_4:
0x1b: {  	[tilespmem:s18], [sflag:$0x2] =	stream.linear.gather [hbm4b:s21+s2], $0x80, $0x38;
	[tilespmem:$0x6200] =	vst v63  }
0x1c: {  	s21 =	smov.u32 s19;
	s18 =	smov.u32 s20;
	p0 =	sne.s32 s19, $0x1780  }
.Ltmp1:
0x1d: {  	s19 =	sadd.s32 $0x80, s19;
	(pc) =	sbr.rel @p0 .LBB2_4-.Ltmp1, $2  }
0x1e: {  	_ =	sdelay $0x2  }
0x1f: {  	s20 =	sadd.s32 $0x100, s20;
	s21 =	sadd.s32 s21, s4  }
0x20: {  	[tilespmem:s18], [sflag:$0x2] =	stream.linear.gather [hbm4b:s21+s2], $0x80, $0x38;
	[tilespmem:$0x6200] =	vst v63  }
0x21: {  	s18 =	simm.s32 $0x80  }
0x22: {  	s19 =	simm.s32 $0x80;
	s21 =	sadd.s32 $0x0, s5;
	s20 =	simm.s32 $0x180  }
.LBB2_6:
0x23: {  	[tilespmem:s18], [sflag:$0x3] =	stream.linear.gather [hbm4b:s21+s2], $0x80, $0x38;
	[tilespmem:$0x6200] =	vst v63  }
0x24: {  	s21 =	smov.u32 s19;
	s18 =	smov.u32 s20;
	p0 =	sne.s32 s19, $0x1780  }
.Ltmp2:
0x25: {  	s19 =	sadd.s32 $0x80, s19;
	(pc) =	sbr.rel @p0 .LBB2_6-.Ltmp2, $2  }
0x26: {  	_ =	sdelay $0x2  }
0x27: {  	s20 =	sadd.s32 $0x100, s20;
	s21 =	sadd.s32 s21, s5  }
0x28: {  	[tilespmem:s18], [sflag:$0x3] =	stream.linear.gather [hbm4b:s21+s2], $0x80, $0x38;
	[tilespmem:$0x6200] =	vst v63  }
0x29: {  	s18 =	simm.s32 $0x3080  }
0x2a: {  	s19 =	simm.s32 $0x80;
	s21 =	sadd.s32 $0x0, s6;
	s20 =	simm.s32 $0x3180  }
.LBB2_8:
0x2b: {  	[tilespmem:s18], [sflag:$0x4] =	stream.linear.gather [hbm4b:s21+s2], $0x80, $0x38;
	[tilespmem:$0x6200] =	vst v63  }
0x2c: {  	s21 =	smov.u32 s19;
	s18 =	smov.u32 s20;
	p0 =	sne.s32 s19, $0x1780  }
.Ltmp3:
0x2d: {  	s19 =	sadd.s32 $0x80, s19;
	(pc) =	sbr.rel @p0 .LBB2_8-.Ltmp3, $2  }
0x2e: {  	_ =	sdelay $0x2  }
0x2f: {  	s20 =	sadd.s32 $0x100, s20;
	s21 =	sadd.s32 s21, s6  }
0x30: {  	[tilespmem:s18], [sflag:$0x4] =	stream.linear.gather [hbm4b:s21+s2], $0x80, $0x38;
	[tilespmem:$0x6200] =	vst v63  }
0x31: {  	_ =	swait.ge [sflag:s10], $0x1800  }
0x32: {  	[sflag:s10] =	ssyncset.done $0x0  }
0x33: {  	[sflag:s10] =	ssyncadd.s32 $0xFFFFE800  }
0x34: {  	_ =	swait.ge [sflag:s11], $0x1800  }
0x35: {  	[sflag:s11] =	ssyncset.done $0x0  }
0x36: {  	s31 =	simm.s32 $0x80;
	[sflag:s11] =	ssyncadd.s32 $0xFFFFE800  }
0x37: {  	v7 =	vld [tilespmem:s31+$0xFFFFFF80]  }
0x38: {  	v9 =	vld [tilespmem:s31+$0xFFFFFFA0]  }
0x39: {  	v10 =	vld [tilespmem:s31+$0xFFFFFFB0]  }
0x3a: {  	v5 =	vimm.f32 $-Inf;
	v6 =	vimm.s32 $0x0;
	v24 =	vimm.f32 $-Inf;
	v11 =	vld [tilespmem:s31+$0xFFFFFFC0]  }
0x3b: {  	v25 =	vimm.f32 $-Inf;
	v26 =	vimm.f32 $-Inf;
	v27 =	vimm.f32 $-Inf;
	v12 =	vld [tilespmem:s31+$0xFFFFFFD0]  }
0x3c: {  	v28 =	vimm.f32 $-Inf;
	v29 =	vimm.f32 $-Inf;
	v30 =	vimm.f32 $-Inf;
	v13 =	vld [tilespmem:s31+$0xFFFFFFE0]  }
0x3d: {  	v31 =	vimm.f32 $-Inf;
	v22 =	vimm.s32 $0x0;
	v38 =	vimm.s32 $0x0;
	v8 =	vld [tilespmem:s31+$0xFFFFFF90]  }
0x3e: {  	v39 =	vimm.s32 $0x0;
	v40 =	vimm.s32 $0x0;
	v41 =	vimm.s32 $0x0;
	v23 =	vld [tilespmem:s31+$0xFFFFFFF0]  }
0x3f: {  	v42 =	vimm.s32 $0x0;
	v43 =	vimm.s32 $0x0;
	v32 =	vld [tilespmem:s31+$0x0];
	vm0 =	vgt.f32 v7, v5  }
0x40: {  	v34 =	vld [tilespmem:s31+$0x10];
	vm1 =	vgt.f32 v9, v5;
	vm2 =	vgt.f32 v10, v5;
	vm3 =	vgt.f32 v11, v5  }
0x41: {  	s19 =	simm.s32 $0x0;
	v33 =	vld [tilespmem:s31+$0x20];
	vm4 =	vgt.f32 v12, v5;
	vm5 =	vgt.f32 v13, v5;
	v20 =	vsel vm0, v7, v5  }
0x42: {  	v35 =	vld [tilespmem:s31+$0x30];
	v21 =	vsel vm0, s19, v6;
	vm0 =	vgt.f32 v8, v5;
	v16 =	vsel vm1, v9, v5  }
0x43: {  	v37 =	vld [tilespmem:s31+$0x40];
	v17 =	vsel vm2, v10, v5;
	v14 =	vsel vm3, v11, v5;
	v18 =	vsel vm4, v12, v5  }
0x44: {  	v36 =	vld [tilespmem:s31+$0x50];
	v19 =	vsel vm5, v13, v5;
	v7 =	vimm.s32 $0x0;
	v9 =	vimm.s32 $0x0  }
0x45: {  	v44 =	vld [tilespmem:s31+$0x60];
	v10 =	vimm.s32 $0x0;
	v12 =	vimm.s32 $0x0;
	v13 =	vimm.s32 $0x0  }
0x46: {  	s18 =	simm.s32 $0x180;
	s20 =	simm.s32 $0x1;
	v45 =	vld [tilespmem:s31+$0x70];
	v11 =	vimm.s32 $0x0;
	v15 =	vsel vm0, v8, v5;
	v8 =	vimm.s32 $0x0  }
.LBB2_10:
0x47: {  	v46 =	vld [tilespmem:s18+$0xFFFFFF80];
	p0 =	sne.s32 s20, $0x2F;
	vm6 =	vgt.f32 v23, v5;
	vm7 =	vgt.f32 v32, v24;
	vm8 =	vgt.f32 v34, v25  }
0x48: {  	v47 =	vld [tilespmem:s18+$0xFFFFFF90];
	v5 =	vsel vm6, v23, v5;
	v24 =	vsel vm7, v32, v24;
	v25 =	vsel vm8, v34, v25  }
0x49: {  	vm9 =	vgt.f32 v33, v26;
	vm10 =	vgt.f32 v35, v27;
	vm11 =	vgt.f32 v37, v28;
	v48 =	vld [tilespmem:s18+$0xFFFFFFA0]  }
0x4a: {  	v26 =	vsel vm9, v33, v26;
	v27 =	vsel vm10, v35, v27;
	v28 =	vsel vm11, v37, v28;
	v49 =	vld [tilespmem:s18+$0xFFFFFFB0]  }
0x4b: {  	vm13 =	vgt.f32 v36, v29;
	vm14 =	vgt.f32 v44, v30;
	v50 =	vld [tilespmem:s18+$0xFFFFFFC0];
	vm12 =	vgt.f32 v45, v31  }
0x4c: {  	v29 =	vsel vm13, v36, v29;
	v30 =	vsel vm14, v44, v30;
	v51 =	vld [tilespmem:s18+$0xFFFFFFD0];
	v31 =	vsel vm12, v45, v31  }
0x4d: {  	v6 =	vsel vm0, s19, v6;
	v7 =	vsel vm1, s19, v7;
	v8 =	vsel vm2, s19, v8;
	v45 =	vld [tilespmem:s18+$0xFFFFFFE0]  }
0x4e: {  	v9 =	vsel vm3, s19, v9;
	v10 =	vsel vm4, s19, v10;
	v12 =	vsel vm5, s19, v12;
	v23 =	vld [tilespmem:s18+$0xFFFFFFF0]  }
0x4f: {  	v13 =	vsel vm6, s19, v13;
	v22 =	vsel vm7, s19, v22;
	v38 =	vsel vm8, s19, v38;
	v32 =	vld [tilespmem:s18+$0x0]  }
0x50: {  	v39 =	vsel vm9, s19, v39;
	v40 =	vsel vm10, s19, v40;
	v41 =	vsel vm11, s19, v41;
	v34 =	vld [tilespmem:s18+$0x10]  }
0x51: {  	v42 =	vsel vm13, s19, v42;
	v43 =	vsel vm14, s19, v43;
	vm0 =	vgt.f32 v46, v20;
	v33 =	vld [tilespmem:s18+$0x20]  }
.Ltmp4:
0x52: {  	v11 =	vsel vm12, s19, v11;
	s19 =	smov.u32 s20;
	v20 =	vsel vm0, v46, v20;
	v21 =	vsel vm0, s20, v21;
	v35 =	vld [tilespmem:s18+$0x30];
	(pc) =	sbr.rel @p0 .LBB2_10-.Ltmp4, $4  }
0x53: {  	vm0 =	vgt.f32 v47, v15;
	vm1 =	vgt.f32 v48, v16;
	vm2 =	vgt.f32 v49, v17;
	v37 =	vld [tilespmem:s18+$0x40]  }
0x54: {  	v15 =	vsel vm0, v47, v15;
	v16 =	vsel vm1, v48, v16;
	v17 =	vsel vm2, v49, v17;
	v36 =	vld [tilespmem:s18+$0x50]  }
0x55: {  	vm3 =	vgt.f32 v50, v14;
	vm4 =	vgt.f32 v51, v18;
	vm5 =	vgt.f32 v45, v19;
	v44 =	vld [tilespmem:s18+$0x60]  }
0x56: {  	s20 =	sadd.s32 $0x1, s20;
	v14 =	vsel vm3, v50, v14;
	v18 =	vsel vm4, v51, v18;
	v19 =	vsel vm5, v45, v19;
	v45 =	vld [tilespmem:s18+$0x70];
	s18 =	sadd.s32 $0x100, s18  }
0x57: {  	_ =	swait.ge [sflag:s12], $0x1800  }
0x58: {  	[sflag:s12] =	ssyncset.done $0x0  }
0x59: {  	[sflag:s12] =	ssyncadd.s32 $0xFFFFE800  }
0x5a: {  	_ =	swait.ge [sflag:s13], $0x1800  }
0x5b: {  	[sflag:s13] =	ssyncset.done $0x0  }
0x5c: {  	s20 =	simm.s32 $0x30F0;
	[sflag:s13] =	ssyncadd.s32 $0xFFFFE800  }
0x5d: {  	vm6 =	vgt.f32 v23, v5;
	vm7 =	vgt.f32 v32, v24;
	vm8 =	vgt.f32 v34, v25;
	v46 =	vld [tilespmem:s20+$0xFFFFFF10]  }
0x5e: {  	vm9 =	vgt.f32 v33, v26;
	vm10 =	vgt.f32 v35, v27;
	v23 =	vsel vm6, v23, v5;
	v47 =	vld [tilespmem:s20+$0xFFFFFF20]  }
0x5f: {  	v24 =	vsel vm7, v32, v24;
	v25 =	vsel vm8, v34, v25;
	vm11 =	vgt.f32 v37, v28;
	v48 =	vld [tilespmem:s20+$0xFFFFFF30]  }
0x60: {  	v26 =	vsel vm9, v33, v26;
	v27 =	vsel vm10, v35, v27;
	v32 =	vsel vm1, s19, v7;
	v49 =	vld [tilespmem:s20+$0xFFFFFF40]  }
0x61: {  	v33 =	vsel vm2, s19, v8;
	v34 =	vsel vm3, s19, v9;
	v35 =	vsel vm4, s19, v10;
	v50 =	vld [tilespmem:s20+$0xFFFFFF50]  }
0x62: {  	v8 =	vsel vm9, s19, v39;
	v9 =	vsel vm10, s19, v40;
	v28 =	vsel vm11, v37, v28;
	v51 =	vld [tilespmem:s20+$0xFFFFFF60]  }
0x63: {  	vm12 =	vgt.f32 v36, v29;
	v37 =	vsel vm6, s19, v13;
	vm13 =	vgt.f32 v44, v30;
	v52 =	vld [tilespmem:s20+$0xFFFFFF70]  }
0x64: {  	v13 =	vsel vm7, s19, v22;
	vm14 =	vgt.f32 v45, v31;
	v30 =	vsel vm13, v44, v30;
	v44 =	vld [tilespmem:s20+$0xFFFFFF80]  }
0x65: {  	v29 =	vsel vm12, v36, v29;
	v36 =	vsel vm5, s19, v12;
	v5 =	vsel vm14, v45, v31;
	v45 =	vld [tilespmem:s20+$0xFFFFFF90]  }
0x66: {  	v12 =	vsel vm8, s19, v38;
	v31 =	vsel vm0, s19, v6;
	v6 =	vsel vm11, s19, v41;
	v41 =	vld [tilespmem:s20+$0xFFFFFFA0]  }
0x67: {  	v10 =	vsel vm12, s19, v42;
	v7 =	vsel vm13, s19, v43;
	v11 =	vsel vm14, s19, v11;
	v40 =	vld [tilespmem:s20+$0xFFFFFFB0]  }
0x68: {  	v42 =	vld [tilespmem:s20+$0xFFFFFFC0];
	vm0 =	vgt.f32 v46, v20;
	vm1 =	vgt.f32 v48, v16;
	vm2 =	vgt.f32 v49, v17  }
0x69: {  	s18 =	simm.s32 $0x30;
	v43 =	vld [tilespmem:s20+$0xFFFFFFE0];
	vm11 =	vgt.f32 v50, v14;
	vm12 =	vgt.f32 v51, v18;
	vm13 =	vgt.f32 v52, v19  }
0x6a: {  	v20 =	vsel vm0, v46, v20;
	v38 =	vsel vm0, s18, v21;
	vm0 =	vgt.f32 v47, v15;
	v46 =	vld [tilespmem:s20+$0xFFFFFFD0]  }
0x6b: {  	v39 =	vld [tilespmem:s20+$0x0];
	v21 =	vsel vm1, v48, v16;
	v17 =	vsel vm2, v49, v17;
	v16 =	vsel vm12, v51, v18  }
0x6c: {  	s19 =	simm.s32 $0x31F0;
	v22 =	vsel vm0, v47, v15;
	v47 =	vld [tilespmem:s20+$0xFFFFFFF0];
	v15 =	vsel vm11, v50, v14;
	v14 =	vsel vm13, v52, v19;
	s20 =	simm.s32 $0x31  }
.LBB2_12:
0x6d: {  	v18 =	vld [tilespmem:s19+$0xFFFFFF10];
	p0 =	sne.s32 s20, $0x5F;
	vm3 =	vgt.f32 v44, v23;
	vm4 =	vgt.f32 v45, v24;
	vm5 =	vgt.f32 v41, v25  }
0x6e: {  	v19 =	vld [tilespmem:s19+$0xFFFFFF20];
	v23 =	vsel vm3, v44, v23;
	v24 =	vsel vm4, v45, v24;
	v25 =	vsel vm5, v41, v25  }
0x6f: {  	vm6 =	vgt.f32 v40, v26;
	vm7 =	vgt.f32 v42, v27;
	vm8 =	vgt.f32 v46, v28;
	v48 =	vld [tilespmem:s19+$0xFFFFFF30]  }
0x70: {  	v26 =	vsel vm6, v40, v26;
	v27 =	vsel vm7, v42, v27;
	v28 =	vsel vm8, v46, v28;
	v49 =	vld [tilespmem:s19+$0xFFFFFF40]  }
0x71: {  	vm10 =	vgt.f32 v43, v29;
	vm14 =	vgt.f32 v47, v30;
	v50 =	vld [tilespmem:s19+$0xFFFFFF50];
	vm9 =	vgt.f32 v39, v5  }
0x72: {  	v29 =	vsel vm10, v43, v29;
	v30 =	vsel vm14, v47, v30;
	v51 =	vld [tilespmem:s19+$0xFFFFFF60];
	v5 =	vsel vm9, v39, v5  }
0x73: {  	v31 =	vsel vm0, s18, v31;
	v32 =	vsel vm1, s18, v32;
	v33 =	vsel vm2, s18, v33;
	v39 =	vld [tilespmem:s19+$0xFFFFFF70]  }
0x74: {  	v34 =	vsel vm11, s18, v34;
	v35 =	vsel vm12, s18, v35;
	v36 =	vsel vm13, s18, v36;
	v44 =	vld [tilespmem:s19+$0xFFFFFF80]  }
0x75: {  	v37 =	vsel vm3, s18, v37;
	v13 =	vsel vm4, s18, v13;
	v12 =	vsel vm5, s18, v12;
	v45 =	vld [tilespmem:s19+$0xFFFFFF90]  }
0x76: {  	v8 =	vsel vm6, s18, v8;
	v9 =	vsel vm7, s18, v9;
	v6 =	vsel vm8, s18, v6;
	v41 =	vld [tilespmem:s19+$0xFFFFFFA0]  }
0x77: {  	v10 =	vsel vm10, s18, v10;
	v7 =	vsel vm14, s18, v7;
	vm0 =	vgt.f32 v18, v20;
	v40 =	vld [tilespmem:s19+$0xFFFFFFB0]  }
.Ltmp5:
0x78: {  	v11 =	vsel vm9, s18, v11;
	s18 =	smov.u32 s20;
	v20 =	vsel vm0, v18, v20;
	v38 =	vsel vm0, s20, v38;
	v42 =	vld [tilespmem:s19+$0xFFFFFFC0];
	(pc) =	sbr.rel @p0 .LBB2_12-.Ltmp5, $4  }
0x79: {  	vm0 =	vgt.f32 v19, v22;
	vm1 =	vgt.f32 v48, v21;
	vm2 =	vgt.f32 v49, v17;
	v46 =	vld [tilespmem:s19+$0xFFFFFFD0]  }
0x7a: {  	v22 =	vsel vm0, v19, v22;
	v21 =	vsel vm1, v48, v21;
	v17 =	vsel vm2, v49, v17;
	v43 =	vld [tilespmem:s19+$0xFFFFFFE0]  }
0x7b: {  	vm11 =	vgt.f32 v50, v15;
	vm12 =	vgt.f32 v51, v16;
	vm13 =	vgt.f32 v39, v14;
	v47 =	vld [tilespmem:s19+$0xFFFFFFF0]  }
0x7c: {  	s20 =	sadd.s32 $0x1, s20;
	v15 =	vsel vm11, v50, v15;
	v16 =	vsel vm12, v51, v16;
	v14 =	vsel vm13, v39, v14;
	v39 =	vld [tilespmem:s19+$0x0];
	s19 =	sadd.s32 $0x100, s19  }
0x7d: {  	vm14 =	vgt.f32 v44, v23;
	vm8 =	vgt.f32 v45, v24;
	vm3 =	vgt.f32 v41, v25  }
0x7e: {  	vm6 =	vgt.f32 v40, v26;
	vm7 =	vgt.f32 v42, v27;
	v48 =	vsel vm2, s18, v33  }
0x7f: {  	v49 =	vsel vm11, s18, v34;
	v50 =	vsel vm12, s18, v35;
	v51 =	vsel vm13, s18, v36  }
0x80: {  	v52 =	vshll.u32 v38, $0x7;
	v54 =	vor.u32 $0x10, v0;
	v55 =	vor.u32 $0x20, v0  }
0x81: {  	v56 =	vor.u32 $0x30, v0;
	v57 =	vor.u32 $0x40, v0;
	v58 =	vor.u32 $0x50, v0  }
0x82: {  	vm11 =	vgt.f32 v22, v20;
	vm12 =	veq.f32 v17, v21;
	v59 =	vor.u32 $0x60, v0  }
0x83: {  	v60 =	vor.u32 $0x70, v0;
	v44 =	vsel vm14, v44, v23;
	v24 =	vsel vm8, v45, v24  }
0x84: {  	v25 =	vsel vm3, v41, v25;
	vm4 =	vgt.f32 v46, v28;
	v26 =	vsel vm6, v40, v26  }
0x85: {  	v27 =	vsel vm7, v42, v27;
	v53 =	vsel vm14, s18, v37;
	v34 =	vor.u32 v0, v52  }
0x86: {  	vm14 =	veq.f32 v22, v20;
	v33 =	vshll.u32 v51, $0x7;
	v13 =	vsel vm8, s18, v13  }
0x87: {  	v12 =	vsel vm3, s18, v12;
	v8 =	vsel vm6, s18, v8;
	v9 =	vsel vm7, s18, v9  }
0x88: {  	v18 =	vsel vm4, v46, v28;
	vm10 =	vgt.f32 v43, v29;
	v46 =	vsel vm0, s18, v31  }
0x89: {  	v31 =	vshll.u32 v49, $0x7;
	v35 =	vshll.u32 v53, $0x7;
	v33 =	vor.u32 v59, v33  }
0x8a: {  	v6 =	vsel vm4, s18, v6;
	v13 =	vshll.u32 v13, $0x7;
	v12 =	vshll.u32 v12, $0x7  }
0x8b: {  	v8 =	vshll.u32 v8, $0x7;
	v9 =	vshll.u32 v9, $0x7;
	vm9 =	vgt.f32 v47, v30  }
0x8c: {  	v23 =	vsel vm10, v43, v29;
	v28 =	vshll.u32 v46, $0x7;
	v31 =	vor.u32 v57, v31  }
0x8d: {  	v35 =	vor.u32 v60, v35;
	v10 =	vsel vm10, s18, v10;
	v13 =	vor.u32 v0, v13  }
0x8e: {  	v12 =	vor.u32 v54, v12;
	v8 =	vor.u32 v55, v8;
	v9 =	vor.u32 v56, v9  }
0x8f: {  	v6 =	vshll.u32 v6, $0x7;
	vm10 =	vgt.f32 v27, v26;
	vm5 =	vgt.f32 v39, v5  }
0x90: {  	v19 =	vsel vm9, v47, v30;
	v47 =	vsel vm1, s18, v32;
	v28 =	vor.u32 v54, v28  }
0x91: {  	v30 =	vshll.u32 v48, $0x7;
	v32 =	vshll.u32 v50, $0x7;
	v7 =	vsel vm9, s18, v7  }
0x92: {  	v10 =	vshll.u32 v10, $0x7;
	v6 =	vor.u32 v57, v6;
	vm9 =	vlt.s32 v9, v8  }
0x93: {  	v29 =	vshll.u32 v47, $0x7;
	v30 =	vor.u32 v56, v30;
	vm15 =	vlt.s32 v28, v34  }
0x94: {  	v32 =	vor.u32 v58, v32;
	v5 =	vsel vm5, v39, v5;
	v11 =	vsel vm5, s18, v11  }
0x95: {  	v7 =	vshll.u32 v7, $0x7;
	v10 =	vor.u32 v58, v10;
	v29 =	vor.u32 v55, v29  }
0x96: {  	vm0 =	vmand vm14, vm15;
	vm14 =	vgt.f32 v17, v21;
	vm15 =	veq.f32 v16, v15  }
0x97: {  	v7 =	vor.u32 v59, v7;
	v11 =	vshll.u32 v11, $0x7;
	vm0 =	vmor vm11, vm0  }
0x98: {  	vm13 =	vlt.s32 v30, v29;
	vm11 =	veq.f32 v44, v14;
	v11 =	vor.u32 v60, v11  }
0x99: {  	vm1 =	vmand vm12, vm13;
	v61 =	vsel vm0, v22, v20;
	v62 =	vsel vm0, v28, v34  }
0x9a: {  	vm0 =	vgt.f32 v16, v15;
	vm12 =	vlt.s32 v32, v31;
	vm13 =	vgt.f32 v44, v14  }
0x9b: {  	vm1 =	vmor vm14, vm1;
	vm2 =	vmand vm15, vm12;
	vm12 =	vlt.s32 v35, v33  }
0x9c: {  	v63 =	vsel vm1, v17, v21;
	vm0 =	vmor vm0, vm2;
	vm11 =	vmand vm11, vm12  }
0x9d: {  	v34 =	vsel vm1, v30, v29;
	v45 =	vsel vm0, v16, v15;
	vm14 =	vmor vm13, vm11  }
0x9e: {  	v46 =	vsel vm0, v32, v31;
	vm15 =	vgt.f32 v63, v61;
	vm11 =	veq.f32 v63, v61  }
0x9f: {  	vm12 =	vlt.s32 v34, v62;
	v47 =	vsel vm14, v44, v14;
	v48 =	vsel vm14, v35, v33  }
0xa0: {  	vm1 =	vmand vm11, vm12;
	vm12 =	vgt.f32 v25, v24;
	vm13 =	veq.f32 v47, v45  }
0xa1: {  	vm14 =	vlt.s32 v48, v46;
	vm0 =	vmor vm15, vm1;
	vm15 =	vgt.f32 v47, v45  }
0xa2: {  	vm2 =	vmand vm13, vm14;
	v17 =	vsel vm0, v63, v61;
	v49 =	vsel vm0, v34, v62  }
0xa3: {  	vm13 =	veq.f32 v25, v24;
	vm14 =	vlt.s32 v12, v13;
	vm1 =	vmor vm15, vm2  }
0xa4: {  	vm15 =	veq.f32 v27, v26;
	vm3 =	vmand vm13, vm14;
	vm13 =	veq.f32 v23, v18  }
0xa5: {  	vm14 =	vlt.s32 v10, v6;
	v14 =	vsel vm1, v47, v45;
	v50 =	vsel vm1, v48, v46  }
0xa6: {  	vm5 =	vmand vm15, vm9;
	vm2 =	vmor vm12, vm3;
	vm12 =	vgt.f32 v23, v18  }
0xa7: {  	vm4 =	vmand vm13, vm14;
	vm15 =	veq.f32 v5, v19;
	vm9 =	vlt.s32 v11, v7  }
0xa8: {  	vm8 =	veq.f32 v14, v17;
	vm1 =	vlt.s32 v50, v49;
	vm11 =	vgt.f32 v14, v17  }
0xa9: {  	v53 =	vsel vm2, v25, v24;
	v12 =	vsel vm2, v12, v13;
	vm2 =	vmor vm12, vm4  }
0xaa: {  	vm0 =	vmand vm8, vm1;
	v55 =	vsel vm2, v23, v18;
	v6 =	vsel vm2, v10, v6  }
0xab: {  	vm0 =	vmor vm11, vm0;
	vm11 =	vmor vm10, vm5;
	vm10 =	vgt.f32 v5, v19  }
0xac: {  	vm5 =	vmand vm15, vm9;
	v14 =	vsel vm0, v14, v17;
	v15 =	vsel vm0, v50, v49  }
0xad: {  	v54 =	vsel vm11, v27, v26;
	v8 =	vsel vm11, v9, v8;
	vm11 =	vmor vm10, vm5  }
0xae: {  	v51 =	vperm.xlane v14, v1;
	v52 =	vperm.xlane v15, v1;
	v5 =	vsel vm11, v5, v19  }
0xaf: {  	v7 =	vsel vm11, v11, v7;
	vm13 =	veq.f32 v54, v53;
	vm14 =	vlt.s32 v8, v12  }
0xb0: {  	vm12 =	vgt.f32 v54, v53;
	vm3 =	vmand vm13, vm14;
	vm15 =	veq.f32 v5, v55  }
0xb1: {  	vm8 =	vlt.s32 v7, v6;
	vm9 =	vgt.f32 v5, v55;
	vm0 =	vgt.f32 v51, v14  }
0xb2: {  	vm1 =	veq.f32 v51, v14;
	vm2 =	vmor vm12, vm3;
	vm4 =	vmand vm15, vm8  }
0xb3: {  	vm10 =	vlt.s32 v52, v15;
	v56 =	vsel vm2, v54, v53;
	vm3 =	vmor vm9, vm4  }
0xb4: {  	v8 =	vsel vm2, v8, v12;
	v5 =	vsel vm3, v5, v55;
	v6 =	vsel vm3, v7, v6  }
0xb5: {  	vm1 =	vmand vm1, vm10;
	vm11 =	veq.f32 v5, v56;
	vm3 =	vlt.s32 v6, v8  }
0xb6: {  	vm0 =	vmor vm0, vm1;
	vm12 =	vgt.f32 v5, v56;
	vm2 =	vmand vm11, vm3  }
0xb7: {  	v7 =	vsel vm0, v51, v14;
	vm1 =	vmor vm12, vm2  }
0xb8: {  	v57 =	vperm.xlane v7, v2;
	v5 =	vsel vm1, v5, v56;
	v6 =	vsel vm1, v6, v8  }
0xb9: {  	v58 =	vsel vm0, v52, v15;
	v10 =	vperm.xlane v5, v1;
	v59 =	vperm.xlane v6, v1  }
0xba: {  	v60 =	vperm.xlane v58, v2  }
0xbb: {  	vm13 =	veq.f32 v57, v7;
	vm14 =	veq.f32 v10, v5;
	vm15 =	vlt.s32 v59, v6  }
0xbc: {  	vm8 =	vlt.s32 v60, v58;
	vm9 =	vgt.f32 v10, v5;
	vm1 =	vmand vm14, vm15  }
0xbd: {  	vm10 =	vgt.f32 v57, v7;
	vm0 =	vmand vm13, vm8;
	vm1 =	vmor vm9, vm1  }
0xbe: {  	vm0 =	vmor vm10, vm0;
	v5 =	vsel vm1, v10, v5;
	v6 =	vsel vm1, v59, v6  }
0xbf: {  	v7 =	vsel vm0, v57, v7;
	v61 =	vperm.xlane v5, v2;
	v62 =	vperm.xlane v6, v2  }
0xc0: {  	v8 =	vsel vm0, v60, v58;
	v63 =	vperm.xlane v7, v3  }
0xc1: {  	v12 =	vperm.xlane v8, v3;
	vm11 =	veq.f32 v61, v5;
	vm1 =	vlt.s32 v62, v6  }
0xc2: {  	vm12 =	vgt.f32 v63, v7;
	vm13 =	vgt.f32 v61, v5;
	vm0 =	vmand vm11, vm1  }
0xc3: {  	vm14 =	veq.f32 v63, v7;
	vm15 =	vlt.s32 v12, v8;
	vm0 =	vmor vm13, vm0  }
0xc4: {  	vm1 =	vmand vm14, vm15;
	v5 =	vsel vm0, v61, v5;
	v6 =	vsel vm0, v62, v6  }
0xc5: {  	vm5 =	vmor vm12, vm1;
	v9 =	vperm.xlane v5, v3;
	v10 =	vperm.xlane v6, v3  }
0xc6: {  	v7 =	vsel vm5, v63, v7  }
0xc7: {  	v8 =	vsel vm5, v12, v8;
	vm6 =	veq.f32 v9, v5;
	vm7 =	vlt.s32 v10, v6  }
0xc8: {  	v11 =	vperm.xlane v7, v4;
	vm8 =	vgt.f32 v9, v5;
	vm0 =	vmand vm6, vm7  }
0xc9: {  	v12 =	vperm.xlane v8, v4;
	vm0 =	vmor vm8, vm0  }
0xca: {  	vm9 =	veq.f32 v11, v7;
	v5 =	vsel vm0, v9, v5;
	v6 =	vsel vm0, v10, v6  }
0xcb: {  	vm10 =	vlt.s32 v12, v8;
	v9 =	vperm.xlane v5, v4;
	v10 =	vperm.xlane v6, v4  }
0xcc: {  	vm11 =	vgt.f32 v11, v7;
	vm0 =	vmand vm9, vm10  }
0xcd: {  	vm0 =	vmor vm11, vm0;
	vm12 =	veq.f32 v9, v5;
	vm13 =	vlt.s32 v10, v6  }
0xce: {  	v7 =	vsel vm0, v11, v7;
	vm14 =	vgt.f32 v9, v5;
	vm1 =	vmand vm12, vm13  }
0xcf: {  	v8 =	vsel vm0, v12, v8;
	[tilespmem:$0x6000] =	vst v7;
	vm15 =	vmor vm14, vm1  }
0xd0: {  	[tilespmem:$0x6100] =	vst v8;
	v5 =	vsel vm15, v9, v5  }
0xd1: {  	v6 =	vsel vm15, v10, v6;
	[tilespmem:$0x6080] =	vst v5  }
0xd2: {  	[tilespmem:$0x6180] =	vst v6  }
0xd3: {  	[hbm4b:s7+s2] =	stream.linear.scatter [tilespmem:s14], [sflag:$0x5], $0x100, $0x38;
	[tilespmem:$0x6200] =	vst v63  }
0xd4: {  	s17 =	sadd.s32 $0x1, s17;
	_ =	swait.ge [sflag:s15], $0x100  }
0xd5: {  	p0 =	sne.s32 s17, s9;
	[sflag:s15] =	ssyncset.done $0x0  }
.Ltmp6:
0xd6: {  	[sflag:s15] =	ssyncadd.s32 $0xFFFFFF00;
	(pc) =	sbr.rel @p0 .LBB2_1-.Ltmp6, $4  }
0xd7: {  	[hbm4b:s8+s2] =	stream.linear.scatter [tilespmem:s16], [sflag:$0x5], $0x100, $0x38;
	[tilespmem:$0x6200] =	vst v63  }
0xd8: {  	_ =	swait.ge [sflag:s15], $0x100  }
0xd9: {  	[sflag:s15] =	ssyncset.done $0x0  }
0xda: {  	[sflag:s15] =	ssyncadd.s32 $0xFFFFFF00  }
0xdb: {  	_ =	sfence.sel $0x180000  }
0xdc: {  	[bflag:$0x0] =	sbarrier.arrive $0xFFFF  }
0xdd: {  	p0 =	sne.s32 s0, $0x0;
	_ =	strace $0x90000047  }
0xde: {  	s0 =	sadd.s32 @!p0 $0x100000, s1;
	[bflag:$0x2] =	sbarrier.arrive $0xFFFF  }
0xdf: {  	[sflag:s0] =	ssyncadd.tile.s32 @!p0 $0x1;
	_ =	shalt  }
.Lfunc_end2:
_tile_overlayer_lowered:
.L_overlay_start_2:
0xe0: {  	(tag) =	ssettag $0x2  }
0xe1: {  	s0 =	rddreg [dreg:$0x0];
	s2 =	stileid.u32  }
0xe2: {  	s1 =	rddreg [dreg:$0x1];
	p0 =	sne.s32 s2, $0x0  }
0xe3: {  	s3 =	rddreg [dreg:$0x2];
	[bflag:$0x3] =	sbarrier.arrive $0xFFFF;
	s2 =	simm.s32 @!p0 $0x1C05  }
0xe4: {  	[timem:s3], [sflag:s2] =	dma.local @!p0 [hbm:s0], s1  }
0xe5: {  	s0 =	simm.s32 @!p0 $0x5  }
0xe6: {  	_ =	swait.ge @!p0 [sflag:s0], s1  }
0xe7: {  	s1 =	ssub.s32 @!p0 $0x0, s1;
	[sflag:s0] =	ssyncset.done @!p0 $0x0  }
0xe8: {  	[sflag:s0] =	ssyncadd.s32 @!p0 s1  }
0xe9: {  	[bflag:$0x3] =	sbarrier.arrive $0xFFFF  }
0xea: {  	_ =	shalt  }

</sc_bundles>
